<compile_context>
chip_gen: v7x
topology: tpu7x:2x2x1
jax: 0.10.2.dev20260603
libtpu: 0.0.44.dev20260713+nightly
codegen_flags: <defaults>
</compile_context>

<pallas_src>
import functools
import math

import jax
import jax.numpy as jnp
from jax import lax
from jax.experimental import pallas as pl
from jax.experimental.pallas import tpu as pltpu
from jax.experimental.pallas import tpu_sc as plsc

B = 4
NPIX_IMG = 50176
NPROTO = 100
NCLS = 10
NSCALE = 2
TOTAL_PIX = B * NPIX_IMG

NW = 32
PIX_PER_W = TOTAL_PIX // NW
W_PER_IMG = NW // B
CHUNK = 448
NCHUNK = PIX_PER_W // CHUNK
GROUPS = CHUNK // 16

_LN2 = 0.6931471805599453
_INV_LOG5 = 1.0 / math.log(5.0)
_SQRT2 = 1.4142135623730951


def _log_f32(x):
    bits = plsc.bitcast(x, jnp.int32)
    e = lax.shift_right_logical(bits, 23) - 127
    mbits = jnp.bitwise_or(jnp.bitwise_and(bits, 0x007FFFFF), 0x3F800000)
    m = plsc.bitcast(mbits, jnp.float32)
    big = m > _SQRT2
    m = jnp.where(big, m * 0.5, m)
    e = e + jnp.where(big, 1, 0)
    t = (m - 1.0) / (m + 1.0)
    t2 = t * t
    p = 1.0 + t2 * (1.0 / 3.0 + t2 * (0.2 + t2 * (1.0 / 7.0)))
    return e.astype(jnp.float32) * _LN2 + 2.0 * t * p


def _sc_body(acts_hbm, lab_hbm, out_hbm, lab_v, rows_v, part_v):
    wid = lax.axis_index("c") * 16 + lax.axis_index("s")
    w_pix = wid * PIX_PER_W
    pltpu.sync_copy(lab_hbm.at[pl.ds(w_pix, PIX_PER_W)], lab_v)

    iota = lax.broadcasted_iota(jnp.int32, (16,), 0)
    zero = jnp.zeros((16,), jnp.float32)

    def chunk_body(ci, carry):
        pltpu.sync_copy(
            acts_hbm.at[pl.ds((w_pix + ci * CHUNK) * NPROTO, CHUNK * NPROTO)],
            rows_v)

        def group_body(gi, accs):
            lab = lab_v[pl.ds(ci * CHUNK + gi * 16, 16)]
            c = lab - 1
            cc = jnp.maximum(c, 0)
            base = (gi * 16 + iota) * NPROTO + cc * 5
            ents = []
            for s in range(NSCALE):
                bflat = base + 50 * s
                xs = [plsc.load_gather(rows_v, [bflat + k])
                      for k in range(5)]
                m = xs[0]
                for k in range(1, 5):
                    m = jnp.maximum(m, xs[k])
                ssum = zero
                tsum = zero
                for k in range(5):
                    u = xs[k] - m
                    ex = jnp.exp(u)
                    ssum = ssum + ex
                    tsum = tsum + u * ex
                ents.append((_log_f32(ssum) - tsum / ssum) * _INV_LOG5)
            e0, e1 = ents
            new = list(accs)
            for cls in range(NCLS):
                hit = jnp.where(c == cls, 1.0, 0.0)
                new[cls] = accs[cls] + hit * e0
                new[NCLS + cls] = accs[NCLS + cls] + hit * e1
                new[2 * NCLS + cls] = accs[2 * NCLS + cls] + hit
            return tuple(new)

        return lax.fori_loop(0, GROUPS, group_body, carry)

    init = tuple(zero for _ in range(3 * NCLS))
    accs = lax.fori_loop(0, NCHUNK, chunk_body, init)
    for j in range(3 * NCLS):
        part_v[j] = accs[j]
    pltpu.sync_copy(part_v, out_hbm.at[wid])


_sc_entropy = functools.partial(
    pl.kernel,
    out_type=jax.ShapeDtypeStruct((NW, 3 * NCLS, 16), jnp.float32),
    mesh=plsc.VectorSubcoreMesh(core_axis_name="c", subcore_axis_name="s"),
    scratch_types=[
        pltpu.VMEM((PIX_PER_W,), jnp.int32),
        pltpu.VMEM((CHUNK * NPROTO,), jnp.float32),
        pltpu.VMEM((3 * NCLS, 16), jnp.float32),
    ],
    compiler_params=pltpu.CompilerParams(needs_layout_passes=False),
)(_sc_body)


def _combine_body(p_ref, o_ref):
    x = p_ref[...]
    t = jnp.sum(x, axis=2)
    wi = lax.broadcasted_iota(jnp.int32, (B, NW), 1)
    ii = lax.broadcasted_iota(jnp.int32, (B, NW), 0)
    sel = (wi // W_PER_IMG == ii).astype(jnp.float32)
    t4 = lax.dot_general(sel, t, (((1,), (0,)), ((), ())),
                         preferred_element_type=jnp.float32)
    s0 = t4[:, 0:NCLS]
    s1 = t4[:, NCLS:2 * NCLS]
    npix = t4[:, 2 * NCLS:3 * NCLS]
    pos = npix > 0.0
    safe = jnp.where(pos, npix, 1.0)
    vals = jnp.where(pos, (s0 + s1) / safe, 0.0)
    cnt = 2.0 * jnp.sum(pos.astype(jnp.float32))
    tot = jnp.sum(vals)
    o_ref[...] = jnp.where(cnt > 0.0, tot / cnt, 0.0)[None, None]


def kernel(prototype_activations, target_labels, prototype_class_identity):
    del prototype_class_identity
    acts = prototype_activations.reshape(TOTAL_PIX * NPROTO)
    labs = target_labels.reshape(TOTAL_PIX).astype(jnp.int32)
    partials = _sc_entropy(acts, labs)
    out = pl.pallas_call(
        _combine_body,
        out_shape=jax.ShapeDtypeStruct((1, 1), jnp.float32),
    )(partials)
    return out[0, 0]

# --- scband reference (transcript-rebuilt; emitter-appended) ---
"""Pipeline reference for scband-entropy-sampl-loss-18769007083964 (READ-ONLY COPY).

The authoritative reference and input builder live on the scoring server;
editing this copy changes nothing except your own understanding.
"""

import jax, jax.numpy as jnp
import numpy as np

NUM_SCALES = 2
SCALE_NUM_PROTOTYPES = [(0, 50), (50, 100)]
NUM_PROTOTYPES = 100
NUM_CLASSES = 10


def _build_identity():
    ident = np.zeros((NUM_PROTOTYPES, NUM_CLASSES), dtype=np.float32)
    for lo, hi in SCALE_NUM_PROTOTYPES:
        for p in range(lo, hi):
            ident[p, (p - lo) // 5] = 1.0
    return ident


def setup_inputs(seed: int = 0):
    key = jax.random.key(seed)
    k1, k2 = jax.random.split(key)
    prototype_activations = jax.random.normal(k1, (4, 50176, 100), dtype=jnp.float32)
    target_labels = jax.random.randint(k2, (4, 224, 224), 0, 11, dtype=jnp.int32)
    prototype_class_identity = jnp.asarray(_build_identity())
    return {"prototype_activations": prototype_activations, "target_labels": target_labels, "prototype_class_identity": prototype_class_identity}


def reference(prototype_activations, target_labels, prototype_class_identity):
    B = target_labels.shape[0]
    labels = jnp.reshape(target_labels, (B, -1)) - 1
    ident = prototype_class_identity
    P = ident.shape[0]
    C = ident.shape[1]
    acts = prototype_activations.reshape(B, -1, P)
    term_vals = []
    term_valid = []
    for img_i in range(B):
        lab = labels[img_i]
        for cls_i in range(C):
            pix_mask = (lab == cls_i).astype(jnp.float32)
            npix = jnp.sum(pix_mask)
            for scale in range(NUM_SCALES):
                lo, hi = SCALE_NUM_PROTOTYPES[scale]
                proto_mask = ident[lo:hi, cls_i]
                nproto = jnp.sum(proto_mask)
                ca = acts[img_i][:, lo:hi]
                logits = jnp.where(proto_mask > 0, ca, -jnp.inf)
                logp = jax.nn.log_softmax(logits, axis=-1)
                prob = jax.nn.softmax(logits, axis=-1)
                log_norm = jnp.where(nproto > 0, jnp.log(jnp.where(nproto > 0, nproto, 1.0)), 1.0)
                contrib = jnp.where(proto_mask > 0, -prob * logp, 0.0)
                ent = jnp.sum(contrib, axis=-1) / log_norm
                mean_ent = jnp.sum(ent * pix_mask) / jnp.where(npix > 0, npix, 1.0)
                valid = (npix > 0) & (nproto > 0)
                term_vals.append(jnp.where(valid, mean_ent, 0.0))
                term_valid.append(valid.astype(jnp.float32))
    vals = jnp.stack(term_vals)
    cnt = jnp.sum(jnp.stack(term_valid))
    return jnp.where(cnt > 0, jnp.sum(vals) / jnp.where(cnt > 0, cnt, 1.0), jnp.asarray(0.0))

if __name__ == "__main__":
    import jax
    _d = setup_inputs()
    print(jax.jit(kernel)(*tuple(_d.values())))

</pallas_src>

<mosaic_0001>
#map = affine_map<(d0, d1) -> (0)>
#map1 = affine_map<(d0, d1) -> (0, 0, 0)>
module attributes {stable_mosaic.version = 14 : i64} {
  func.func @_sc_body(%arg0: i32, %arg1: i32, %arg2: memref<20070400xf32, #tpu.memory_space<hbm>>, %arg3: memref<200704xi32, #tpu.memory_space<hbm>>, %arg4: memref<32x30x16xf32, #tpu.memory_space<hbm>>, %arg5: memref<6272xi32, #tpu.memory_space<vmem>>, %arg6: memref<44800xf32, #tpu.memory_space<vmem>>, %arg7: memref<30x16xf32, #tpu.memory_space<vmem>>) attributes {dimension_semantics = [#tpu.dimension_semantics<core_parallel>, #tpu.dimension_semantics<subcore_parallel>], iteration_bounds = array<i64: 2, 16>, scalar_prefetch = 0 : i64, scratch_operands = 3 : i64, tpu.core_type = #tpu.core_type<sc_vector_subcore>, window_params = [{transform_indices = #map}, {transform_indices = #map}, {transform_indices = #map1}]} {
    %mul3A = arith.constant 16 : i32
    %mul3A_0 = arith.muli %arg0, %mul3A : i32
    %add3A = arith.addi %mul3A_0, %arg1 : i32
    %mul3A_1 = arith.constant 6272 : i32
    %mul3A_2 = arith.muli %add3A, %mul3A_1 : i32
    "tpu.region"() ({
      %run_scoped3A = tpu.sem_alloc : memref<!tpu.dma_semaphore, #tpu.memory_space<semaphore_mem>>
      %dma_start3A = tpu.memref_slice %arg3[%mul3A_2] : memref<200704xi32, #tpu.memory_space<hbm>> -> memref<6272xi32, #tpu.memory_space<hbm>>
      %dma_start3A_128 = tpu.memref_slice %arg3[%mul3A_2] : memref<200704xi32, #tpu.memory_space<hbm>> -> memref<6272xi32, #tpu.memory_space<hbm>>
      tpu.enqueue_dma source(%dma_start3A_128 : memref<6272xi32, #tpu.memory_space<hbm>>) target(%arg5 : memref<6272xi32, #tpu.memory_space<vmem>>) target_semaphore(%run_scoped3A : memref<!tpu.dma_semaphore, #tpu.memory_space<semaphore_mem>>)
      %dma_wait3A = tpu.memref_slice %arg3[%mul3A_2] : memref<200704xi32, #tpu.memory_space<hbm>> -> memref<6272xi32, #tpu.memory_space<hbm>>
      %dma_wait3A_129 = tpu.memref_slice %arg3[%mul3A_2] : memref<200704xi32, #tpu.memory_space<hbm>> -> memref<6272xi32, #tpu.memory_space<hbm>>
      tpu.wait_dma2 semaphore(%run_scoped3A : memref<!tpu.dma_semaphore, #tpu.memory_space<semaphore_mem>>) src(%dma_wait3A_129 : memref<6272xi32, #tpu.memory_space<hbm>>) dst(%arg5 : memref<6272xi32, #tpu.memory_space<vmem>>)
      tpu.yield
    }) : () -> ()
    %iota3A = tpu.iota {dimensions = array<i32: 0>} : vector<16xi32>
    %broadcast_in_dim3A = arith.constant 0.000000e+00 : f32
    %broadcast_in_dim3A_3 = vector.broadcast %broadcast_in_dim3A : f32 to vector<16xf32>
    %scan3A = arith.constant 0 : i32
    %scan3A_4 = arith.constant 14 : i32
    %scan3A_5 = arith.addi %scan3A, %scan3A_4 : i32
    %scan3A_6 = arith.constant 1 : i32
    %scan3A_7:30 = scf.for %scan3A_128 = %scan3A to %scan3A_5 step %scan3A_6 iter_args(%scan3A_129 = %broadcast_in_dim3A_3, %scan3A_130 = %broadcast_in_dim3A_3, %scan3A_131 = %broadcast_in_dim3A_3, %scan3A_132 = %broadcast_in_dim3A_3, %scan3A_133 = %broadcast_in_dim3A_3, %scan3A_134 = %broadcast_in_dim3A_3, %scan3A_135 = %broadcast_in_dim3A_3, %scan3A_136 = %broadcast_in_dim3A_3, %scan3A_137 = %broadcast_in_dim3A_3, %scan3A_138 = %broadcast_in_dim3A_3, %scan3A_139 = %broadcast_in_dim3A_3, %scan3A_140 = %broadcast_in_dim3A_3, %scan3A_141 = %broadcast_in_dim3A_3, %scan3A_142 = %broadcast_in_dim3A_3, %scan3A_143 = %broadcast_in_dim3A_3, %scan3A_144 = %broadcast_in_dim3A_3, %scan3A_145 = %broadcast_in_dim3A_3, %scan3A_146 = %broadcast_in_dim3A_3, %scan3A_147 = %broadcast_in_dim3A_3, %scan3A_148 = %broadcast_in_dim3A_3, %scan3A_149 = %broadcast_in_dim3A_3, %scan3A_150 = %broadcast_in_dim3A_3, %scan3A_151 = %broadcast_in_dim3A_3, %scan3A_152 = %broadcast_in_dim3A_3, %scan3A_153 = %broadcast_in_dim3A_3, %scan3A_154 = %broadcast_in_dim3A_3, %scan3A_155 = %broadcast_in_dim3A_3, %scan3A_156 = %broadcast_in_dim3A_3, %scan3A_157 = %broadcast_in_dim3A_3, %scan3A_158 = %broadcast_in_dim3A_3) -> (vector<16xf32>, vector<16xf32>, vector<16xf32>, vector<16xf32>, vector<16xf32>, vector<16xf32>, vector<16xf32>, vector<16xf32>, vector<16xf32>, vector<16xf32>, vector<16xf32>, vector<16xf32>, vector<16xf32>, vector<16xf32>, vector<16xf32>, vector<16xf32>, vector<16xf32>, vector<16xf32>, vector<16xf32>, vector<16xf32>, vector<16xf32>, vector<16xf32>, vector<16xf32>, vector<16xf32>, vector<16xf32>, vector<16xf32>, vector<16xf32>, vector<16xf32>, vector<16xf32>, vector<16xf32>)  : i32 {
      %mul3A_159 = arith.constant 448 : i32
      %mul3A_160 = arith.muli %scan3A_128, %mul3A_159 : i32
      %add3A_161 = arith.addi %mul3A_2, %mul3A_160 : i32
      %mul3A_162 = arith.constant 100 : i32
      %mul3A_163 = arith.muli %add3A_161, %mul3A_162 : i32
      "tpu.region"() ({
        %run_scoped3A = tpu.sem_alloc : memref<!tpu.dma_semaphore, #tpu.memory_space<semaphore_mem>>
        %dma_start3A = tpu.memref_slice %arg2[%mul3A_163] : memref<20070400xf32, #tpu.memory_space<hbm>> -> memref<44800xf32, #tpu.memory_space<hbm>>
        %dma_start3A_170 = tpu.memref_slice %arg2[%mul3A_163] : memref<20070400xf32, #tpu.memory_space<hbm>> -> memref<44800xf32, #tpu.memory_space<hbm>>
        tpu.enqueue_dma source(%dma_start3A_170 : memref<44800xf32, #tpu.memory_space<hbm>>) target(%arg6 : memref<44800xf32, #tpu.memory_space<vmem>>) target_semaphore(%run_scoped3A : memref<!tpu.dma_semaphore, #tpu.memory_space<semaphore_mem>>)
        %dma_wait3A = tpu.memref_slice %arg2[%mul3A_163] : memref<20070400xf32, #tpu.memory_space<hbm>> -> memref<44800xf32, #tpu.memory_space<hbm>>
        %dma_wait3A_171 = tpu.memref_slice %arg2[%mul3A_163] : memref<20070400xf32, #tpu.memory_space<hbm>> -> memref<44800xf32, #tpu.memory_space<hbm>>
        tpu.wait_dma2 semaphore(%run_scoped3A : memref<!tpu.dma_semaphore, #tpu.memory_space<semaphore_mem>>) src(%dma_wait3A_171 : memref<44800xf32, #tpu.memory_space<hbm>>) dst(%arg6 : memref<44800xf32, #tpu.memory_space<vmem>>)
        tpu.yield
      }) : () -> ()
      %scan3A_164 = arith.constant 0 : i32
      %scan3A_165 = arith.constant 28 : i32
      %scan3A_166 = arith.addi %scan3A_164, %scan3A_165 : i32
      %scan3A_167 = arith.constant 1 : i32
      %scan3A_168:30 = scf.for %scan3A_170 = %scan3A_164 to %scan3A_166 step %scan3A_167 iter_args(%scan3A_171 = %scan3A_129, %scan3A_172 = %scan3A_130, %scan3A_173 = %scan3A_131, %scan3A_174 = %scan3A_132, %scan3A_175 = %scan3A_133, %scan3A_176 = %scan3A_134, %scan3A_177 = %scan3A_135, %scan3A_178 = %scan3A_136, %scan3A_179 = %scan3A_137, %scan3A_180 = %scan3A_138, %scan3A_181 = %scan3A_139, %scan3A_182 = %scan3A_140, %scan3A_183 = %scan3A_141, %scan3A_184 = %scan3A_142, %scan3A_185 = %scan3A_143, %scan3A_186 = %scan3A_144, %scan3A_187 = %scan3A_145, %scan3A_188 = %scan3A_146, %scan3A_189 = %scan3A_147, %scan3A_190 = %scan3A_148, %scan3A_191 = %scan3A_149, %scan3A_192 = %scan3A_150, %scan3A_193 = %scan3A_151, %scan3A_194 = %scan3A_152, %scan3A_195 = %scan3A_153, %scan3A_196 = %scan3A_154, %scan3A_197 = %scan3A_155, %scan3A_198 = %scan3A_156, %scan3A_199 = %scan3A_157, %scan3A_200 = %scan3A_158) -> (vector<16xf32>, vector<16xf32>, vector<16xf32>, vector<16xf32>, vector<16xf32>, vector<16xf32>, vector<16xf32>, vector<16xf32>, vector<16xf32>, vector<16xf32>, vector<16xf32>, vector<16xf32>, vector<16xf32>, vector<16xf32>, vector<16xf32>, vector<16xf32>, vector<16xf32>, vector<16xf32>, vector<16xf32>, vector<16xf32>, vector<16xf32>, vector<16xf32>, vector<16xf32>, vector<16xf32>, vector<16xf32>, vector<16xf32>, vector<16xf32>, vector<16xf32>, vector<16xf32>, vector<16xf32>)  : i32 {
        %mul3A_201 = arith.constant 448 : i32
        %mul3A_202 = arith.muli %scan3A_128, %mul3A_201 : i32
        %mul3A_203 = arith.constant 16 : i32
        %mul3A_204 = arith.muli %scan3A_170, %mul3A_203 : i32
        %add3A_205 = arith.addi %mul3A_202, %mul3A_204 : i32
        %get3A = arith.index_cast %add3A_205 : i32 to index
        %get3A_206 = tpu.vector_load %arg5[%get3A] {strides = array<i32>} : memref<6272xi32, #tpu.memory_space<vmem>>, vector<16xi32>,
        %sub3A = arith.constant 1 : i32
        %sub3A_207 = vector.broadcast %sub3A : i32 to vector<16xi32>
        %sub3A_208 = arith.subi %get3A_206, %sub3A_207 : vector<16xi32>
        %max3A = arith.constant 0 : i32
        %max3A_209 = vector.broadcast %max3A : i32 to vector<16xi32>
        %max3A_210 = arith.maxsi %sub3A_208, %max3A_209 : vector<16xi32>
        %mul3A_211 = arith.constant 16 : i32
        %mul3A_212 = arith.muli %scan3A_170, %mul3A_211 : i32
        %add3A_213 = vector.broadcast %mul3A_212 : i32 to vector<16xi32>
        %add3A_214 = arith.addi %add3A_213, %iota3A : vector<16xi32>
        %mul3A_215 = arith.constant 100 : i32
        %mul3A_216 = vector.broadcast %mul3A_215 : i32 to vector<16xi32>
        %mul3A_217 = arith.muli %add3A_214, %mul3A_216 : vector<16xi32>
        %mul3A_218 = arith.constant 5 : i32
        %mul3A_219 = vector.broadcast %mul3A_218 : i32 to vector<16xi32>
        %mul3A_220 = arith.muli %max3A_210, %mul3A_219 : vector<16xi32>
        %add3A_221 = arith.addi %mul3A_217, %mul3A_220 : vector<16xi32>
        %add3A_222 = arith.constant 0 : i32
        %add3A_223 = vector.broadcast %add3A_222 : i32 to vector<16xi32>
        %add3A_224 = arith.addi %add3A_221, %add3A_223 : vector<16xi32>
        %add3A_225 = arith.constant 0 : i32
        %add3A_226 = vector.broadcast %add3A_225 : i32 to vector<16xi32>
        %add3A_227 = arith.addi %add3A_224, %add3A_226 : vector<16xi32>
        %gather3A = tpu.vector_load_idx %arg6[%add3A_227] : memref<44800xf32, #tpu.memory_space<vmem>>[vector<16xi32>], vector<16xf32>,
        %add3A_228 = arith.constant 1 : i32
        %add3A_229 = vector.broadcast %add3A_228 : i32 to vector<16xi32>
        %add3A_230 = arith.addi %add3A_224, %add3A_229 : vector<16xi32>
        %gather3A_231 = tpu.vector_load_idx %arg6[%add3A_230] : memref<44800xf32, #tpu.memory_space<vmem>>[vector<16xi32>], vector<16xf32>,
        %add3A_232 = arith.constant 2 : i32
        %add3A_233 = vector.broadcast %add3A_232 : i32 to vector<16xi32>
        %add3A_234 = arith.addi %add3A_224, %add3A_233 : vector<16xi32>
        %gather3A_235 = tpu.vector_load_idx %arg6[%add3A_234] : memref<44800xf32, #tpu.memory_space<vmem>>[vector<16xi32>], vector<16xf32>,
        %add3A_236 = arith.constant 3 : i32
        %add3A_237 = vector.broadcast %add3A_236 : i32 to vector<16xi32>
        %add3A_238 = arith.addi %add3A_224, %add3A_237 : vector<16xi32>
        %gather3A_239 = tpu.vector_load_idx %arg6[%add3A_238] : memref<44800xf32, #tpu.memory_space<vmem>>[vector<16xi32>], vector<16xf32>,
        %add3A_240 = arith.constant 4 : i32
        %add3A_241 = vector.broadcast %add3A_240 : i32 to vector<16xi32>
        %add3A_242 = arith.addi %add3A_224, %add3A_241 : vector<16xi32>
        %gather3A_243 = tpu.vector_load_idx %arg6[%add3A_242] : memref<44800xf32, #tpu.memory_space<vmem>>[vector<16xi32>], vector<16xf32>,
        %max3A_244 = arith.maximumf %gather3A, %gather3A_231 : vector<16xf32>
        %max3A_245 = arith.maximumf %max3A_244, %gather3A_235 : vector<16xf32>
        %max3A_246 = arith.maximumf %max3A_245, %gather3A_239 : vector<16xf32>
        %max3A_247 = arith.maximumf %max3A_246, %gather3A_243 : vector<16xf32>
        %sub3A_248 = arith.subf %gather3A, %max3A_247 : vector<16xf32>
        %exp3A = math.exp %sub3A_248 : vector<16xf32>
        %add3A_249 = arith.addf %broadcast_in_dim3A_3, %exp3A : vector<16xf32>
        %mul3A_250 = arith.mulf %sub3A_248, %exp3A : vector<16xf32>
        %add3A_251 = arith.addf %broadcast_in_dim3A_3, %mul3A_250 : vector<16xf32>
        %sub3A_252 = arith.subf %gather3A_231, %max3A_247 : vector<16xf32>
        %exp3A_253 = math.exp %sub3A_252 : vector<16xf32>
        %add3A_254 = arith.addf %add3A_249, %exp3A_253 : vector<16xf32>
        %mul3A_255 = arith.mulf %sub3A_252, %exp3A_253 : vector<16xf32>
        %add3A_256 = arith.addf %add3A_251, %mul3A_255 : vector<16xf32>
        %sub3A_257 = arith.subf %gather3A_235, %max3A_247 : vector<16xf32>
        %exp3A_258 = math.exp %sub3A_257 : vector<16xf32>
        %add3A_259 = arith.addf %add3A_254, %exp3A_258 : vector<16xf32>
        %mul3A_260 = arith.mulf %sub3A_257, %exp3A_258 : vector<16xf32>
        %add3A_261 = arith.addf %add3A_256, %mul3A_260 : vector<16xf32>
        %sub3A_262 = arith.subf %gather3A_239, %max3A_247 : vector<16xf32>
        %exp3A_263 = math.exp %sub3A_262 : vector<16xf32>
        %add3A_264 = arith.addf %add3A_259, %exp3A_263 : vector<16xf32>
        %mul3A_265 = arith.mulf %sub3A_262, %exp3A_263 : vector<16xf32>
        %add3A_266 = arith.addf %add3A_261, %mul3A_265 : vector<16xf32>
        %sub3A_267 = arith.subf %gather3A_243, %max3A_247 : vector<16xf32>
        %exp3A_268 = math.exp %sub3A_267 : vector<16xf32>
        %add3A_269 = arith.addf %add3A_264, %exp3A_268 : vector<16xf32>
        %mul3A_270 = arith.mulf %sub3A_267, %exp3A_268 : vector<16xf32>
        %add3A_271 = arith.addf %add3A_266, %mul3A_270 : vector<16xf32>
        %bitcast3A = vector.bitcast %add3A_269 : vector<16xf32> to vector<16xi32>
        %shift_right_logical3A = arith.constant 23 : i32
        %shift_right_logical3A_272 = vector.broadcast %shift_right_logical3A : i32 to vector<16xi32>
        %shift_right_logical3A_273 = arith.shrui %bitcast3A, %shift_right_logical3A_272 : vector<16xi32>
        %sub3A_274 = arith.constant 127 : i32
        %sub3A_275 = vector.broadcast %sub3A_274 : i32 to vector<16xi32>
        %sub3A_276 = arith.subi %shift_right_logical3A_273, %sub3A_275 : vector<16xi32>
        %and3A = arith.constant 8388607 : i32
        %and3A_277 = vector.broadcast %and3A : i32 to vector<16xi32>
        %and3A_278 = arith.andi %bitcast3A, %and3A_277 : vector<16xi32>
        %or3A = arith.constant 1065353216 : i32
        %or3A_279 = vector.broadcast %or3A : i32 to vector<16xi32>
        %or3A_280 = arith.ori %and3A_278, %or3A_279 : vector<16xi32>
        %bitcast3A_281 = vector.bitcast %or3A_280 : vector<16xi32> to vector<16xf32>
        %gt3A = arith.constant 1.41421354 : f32
        %gt3A_282 = vector.broadcast %gt3A : f32 to vector<16xf32>
        %gt3A_283 = arith.cmpf ogt, %bitcast3A_281, %gt3A_282 : vector<16xf32>
        %mul3A_284 = arith.constant 5.000000e-01 : f32
        %mul3A_285 = vector.broadcast %mul3A_284 : f32 to vector<16xf32>
        %mul3A_286 = arith.mulf %bitcast3A_281, %mul3A_285 : vector<16xf32>
        %select_n3A = arith.select %gt3A_283, %mul3A_286, %bitcast3A_281 : vector<16xi1>, vector<16xf32>
        %jit3A = arith.constant 1 : i32
        %jit3A_287 = arith.constant 0 : i32
        %broadcast_in_dim3A_288 = vector.broadcast %jit3A : i32 to vector<16xi32>
        %broadcast_in_dim3A_289 = vector.broadcast %jit3A_287 : i32 to vector<16xi32>
        %select_n3A_290 = arith.select %gt3A_283, %broadcast_in_dim3A_288, %broadcast_in_dim3A_289 : vector<16xi1>, vector<16xi32>
        %add3A_291 = arith.addi %sub3A_276, %select_n3A_290 : vector<16xi32>
        %sub3A_292 = arith.constant 1.000000e+00 : f32
        %sub3A_293 = vector.broadcast %sub3A_292 : f32 to vector<16xf32>
        %sub3A_294 = arith.subf %select_n3A, %sub3A_293 : vector<16xf32>
        %add3A_295 = arith.constant 1.000000e+00 : f32
        %add3A_296 = vector.broadcast %add3A_295 : f32 to vector<16xf32>
        %add3A_297 = arith.addf %select_n3A, %add3A_296 : vector<16xf32>
        %div3A = arith.divf %sub3A_294, %add3A_297 : vector<16xf32>
        %mul3A_298 = arith.mulf %div3A, %div3A : vector<16xf32>
        %mul3A_299 = arith.constant 0.142857149 : f32
        %mul3A_300 = vector.broadcast %mul3A_299 : f32 to vector<16xf32>
        %mul3A_301 = arith.mulf %mul3A_298, %mul3A_300 : vector<16xf32>
        %add3A_302 = arith.constant 2.000000e-01 : f32
        %add3A_303 = vector.broadcast %add3A_302 : f32 to vector<16xf32>
        %add3A_304 = arith.addf %add3A_303, %mul3A_301 : vector<16xf32>
        %mul3A_305 = arith.mulf %mul3A_298, %add3A_304 : vector<16xf32>
        %add3A_306 = arith.constant 0.333333343 : f32
        %add3A_307 = vector.broadcast %add3A_306 : f32 to vector<16xf32>
        %add3A_308 = arith.addf %add3A_307, %mul3A_305 : vector<16xf32>
        %mul3A_309 = arith.mulf %mul3A_298, %add3A_308 : vector<16xf32>
        %add3A_310 = arith.constant 1.000000e+00 : f32
        %add3A_311 = vector.broadcast %add3A_310 : f32 to vector<16xf32>
        %add3A_312 = arith.addf %add3A_311, %mul3A_309 : vector<16xf32>
        %convert_element_type3A = arith.sitofp %add3A_291 : vector<16xi32> to vector<16xf32>
        %mul3A_313 = arith.constant 0.693147182 : f32
        %mul3A_314 = vector.broadcast %mul3A_313 : f32 to vector<16xf32>
        %mul3A_315 = arith.mulf %convert_element_type3A, %mul3A_314 : vector<16xf32>
        %mul3A_316 = arith.constant 2.000000e+00 : f32
        %mul3A_317 = vector.broadcast %mul3A_316 : f32 to vector<16xf32>
        %mul3A_318 = arith.mulf %mul3A_317, %div3A : vector<16xf32>
        %mul3A_319 = arith.mulf %mul3A_318, %add3A_312 : vector<16xf32>
        %add3A_320 = arith.addf %mul3A_315, %mul3A_319 : vector<16xf32>
        %div3A_321 = arith.divf %add3A_271, %add3A_269 : vector<16xf32>
        %sub3A_322 = arith.subf %add3A_320, %div3A_321 : vector<16xf32>
        %mul3A_323 = arith.constant 0.62133491 : f32
        %mul3A_324 = vector.broadcast %mul3A_323 : f32 to vector<16xf32>
        %mul3A_325 = arith.mulf %sub3A_322, %mul3A_324 : vector<16xf32>
        %add3A_326 = arith.constant 50 : i32
        %add3A_327 = vector.broadcast %add3A_326 : i32 to vector<16xi32>
        %add3A_328 = arith.addi %add3A_221, %add3A_327 : vector<16xi32>
        %add3A_329 = arith.constant 0 : i32
        %add3A_330 = vector.broadcast %add3A_329 : i32 to vector<16xi32>
        %add3A_331 = arith.addi %add3A_328, %add3A_330 : vector<16xi32>
        %gather3A_332 = tpu.vector_load_idx %arg6[%add3A_331] : memref<44800xf32, #tpu.memory_space<vmem>>[vector<16xi32>], vector<16xf32>,
        %add3A_333 = arith.constant 1 : i32
        %add3A_334 = vector.broadcast %add3A_333 : i32 to vector<16xi32>
        %add3A_335 = arith.addi %add3A_328, %add3A_334 : vector<16xi32>
        %gather3A_336 = tpu.vector_load_idx %arg6[%add3A_335] : memref<44800xf32, #tpu.memory_space<vmem>>[vector<16xi32>], vector<16xf32>,
        %add3A_337 = arith.constant 2 : i32
        %add3A_338 = vector.broadcast %add3A_337 : i32 to vector<16xi32>
        %add3A_339 = arith.addi %add3A_328, %add3A_338 : vector<16xi32>
        %gather3A_340 = tpu.vector_load_idx %arg6[%add3A_339] : memref<44800xf32, #tpu.memory_space<vmem>>[vector<16xi32>], vector<16xf32>,
        %add3A_341 = arith.constant 3 : i32
        %add3A_342 = vector.broadcast %add3A_341 : i32 to vector<16xi32>
        %add3A_343 = arith.addi %add3A_328, %add3A_342 : vector<16xi32>
        %gather3A_344 = tpu.vector_load_idx %arg6[%add3A_343] : memref<44800xf32, #tpu.memory_space<vmem>>[vector<16xi32>], vector<16xf32>,
        %add3A_345 = arith.constant 4 : i32
        %add3A_346 = vector.broadcast %add3A_345 : i32 to vector<16xi32>
        %add3A_347 = arith.addi %add3A_328, %add3A_346 : vector<16xi32>
        %gather3A_348 = tpu.vector_load_idx %arg6[%add3A_347] : memref<44800xf32, #tpu.memory_space<vmem>>[vector<16xi32>], vector<16xf32>,
        %max3A_349 = arith.maximumf %gather3A_332, %gather3A_336 : vector<16xf32>
        %max3A_350 = arith.maximumf %max3A_349, %gather3A_340 : vector<16xf32>
        %max3A_351 = arith.maximumf %max3A_350, %gather3A_344 : vector<16xf32>
        %max3A_352 = arith.maximumf %max3A_351, %gather3A_348 : vector<16xf32>
        %sub3A_353 = arith.subf %gather3A_332, %max3A_352 : vector<16xf32>
        %exp3A_354 = math.exp %sub3A_353 : vector<16xf32>
        %add3A_355 = arith.addf %broadcast_in_dim3A_3, %exp3A_354 : vector<16xf32>
        %mul3A_356 = arith.mulf %sub3A_353, %exp3A_354 : vector<16xf32>
        %add3A_357 = arith.addf %broadcast_in_dim3A_3, %mul3A_356 : vector<16xf32>
        %sub3A_358 = arith.subf %gather3A_336, %max3A_352 : vector<16xf32>
        %exp3A_359 = math.exp %sub3A_358 : vector<16xf32>
        %add3A_360 = arith.addf %add3A_355, %exp3A_359 : vector<16xf32>
        %mul3A_361 = arith.mulf %sub3A_358, %exp3A_359 : vector<16xf32>
        %add3A_362 = arith.addf %add3A_357, %mul3A_361 : vector<16xf32>
        %sub3A_363 = arith.subf %gather3A_340, %max3A_352 : vector<16xf32>
        %exp3A_364 = math.exp %sub3A_363 : vector<16xf32>
        %add3A_365 = arith.addf %add3A_360, %exp3A_364 : vector<16xf32>
        %mul3A_366 = arith.mulf %sub3A_363, %exp3A_364 : vector<16xf32>
        %add3A_367 = arith.addf %add3A_362, %mul3A_366 : vector<16xf32>
        %sub3A_368 = arith.subf %gather3A_344, %max3A_352 : vector<16xf32>
        %exp3A_369 = math.exp %sub3A_368 : vector<16xf32>
        %add3A_370 = arith.addf %add3A_365, %exp3A_369 : vector<16xf32>
        %mul3A_371 = arith.mulf %sub3A_368, %exp3A_369 : vector<16xf32>
        %add3A_372 = arith.addf %add3A_367, %mul3A_371 : vector<16xf32>
        %sub3A_373 = arith.subf %gather3A_348, %max3A_352 : vector<16xf32>
        %exp3A_374 = math.exp %sub3A_373 : vector<16xf32>
        %add3A_375 = arith.addf %add3A_370, %exp3A_374 : vector<16xf32>
        %mul3A_376 = arith.mulf %sub3A_373, %exp3A_374 : vector<16xf32>
        %add3A_377 = arith.addf %add3A_372, %mul3A_376 : vector<16xf32>
        %bitcast3A_378 = vector.bitcast %add3A_375 : vector<16xf32> to vector<16xi32>
        %shift_right_logical3A_379 = arith.constant 23 : i32
        %shift_right_logical3A_380 = vector.broadcast %shift_right_logical3A_379 : i32 to vector<16xi32>
        %shift_right_logical3A_381 = arith.shrui %bitcast3A_378, %shift_right_logical3A_380 : vector<16xi32>
        %sub3A_382 = arith.constant 127 : i32
        %sub3A_383 = vector.broadcast %sub3A_382 : i32 to vector<16xi32>
        %sub3A_384 = arith.subi %shift_right_logical3A_381, %sub3A_383 : vector<16xi32>
        %and3A_385 = arith.constant 8388607 : i32
        %and3A_386 = vector.broadcast %and3A_385 : i32 to vector<16xi32>
        %and3A_387 = arith.andi %bitcast3A_378, %and3A_386 : vector<16xi32>
        %or3A_388 = arith.constant 1065353216 : i32
        %or3A_389 = vector.broadcast %or3A_388 : i32 to vector<16xi32>
        %or3A_390 = arith.ori %and3A_387, %or3A_389 : vector<16xi32>
        %bitcast3A_391 = vector.bitcast %or3A_390 : vector<16xi32> to vector<16xf32>
        %gt3A_392 = arith.constant 1.41421354 : f32
        %gt3A_393 = vector.broadcast %gt3A_392 : f32 to vector<16xf32>
        %gt3A_394 = arith.cmpf ogt, %bitcast3A_391, %gt3A_393 : vector<16xf32>
        %mul3A_395 = arith.constant 5.000000e-01 : f32
        %mul3A_396 = vector.broadcast %mul3A_395 : f32 to vector<16xf32>
        %mul3A_397 = arith.mulf %bitcast3A_391, %mul3A_396 : vector<16xf32>
        %select_n3A_398 = arith.select %gt3A_394, %mul3A_397, %bitcast3A_391 : vector<16xi1>, vector<16xf32>
        %jit3A_399 = arith.constant 1 : i32
        %jit3A_400 = arith.constant 0 : i32
        %broadcast_in_dim3A_401 = vector.broadcast %jit3A_399 : i32 to vector<16xi32>
        %broadcast_in_dim3A_402 = vector.broadcast %jit3A_400 : i32 to vector<16xi32>
        %select_n3A_403 = arith.select %gt3A_394, %broadcast_in_dim3A_401, %broadcast_in_dim3A_402 : vector<16xi1>, vector<16xi32>
        %add3A_404 = arith.addi %sub3A_384, %select_n3A_403 : vector<16xi32>
        %sub3A_405 = arith.constant 1.000000e+00 : f32
        %sub3A_406 = vector.broadcast %sub3A_405 : f32 to vector<16xf32>
        %sub3A_407 = arith.subf %select_n3A_398, %sub3A_406 : vector<16xf32>
        %add3A_408 = arith.constant 1.000000e+00 : f32
        %add3A_409 = vector.broadcast %add3A_408 : f32 to vector<16xf32>
        %add3A_410 = arith.addf %select_n3A_398, %add3A_409 : vector<16xf32>
        %div3A_411 = arith.divf %sub3A_407, %add3A_410 : vector<16xf32>
        %mul3A_412 = arith.mulf %div3A_411, %div3A_411 : vector<16xf32>
        %mul3A_413 = arith.constant 0.142857149 : f32
        %mul3A_414 = vector.broadcast %mul3A_413 : f32 to vector<16xf32>
        %mul3A_415 = arith.mulf %mul3A_412, %mul3A_414 : vector<16xf32>
        %add3A_416 = arith.constant 2.000000e-01 : f32
        %add3A_417 = vector.broadcast %add3A_416 : f32 to vector<16xf32>
        %add3A_418 = arith.addf %add3A_417, %mul3A_415 : vector<16xf32>
        %mul3A_419 = arith.mulf %mul3A_412, %add3A_418 : vector<16xf32>
        %add3A_420 = arith.constant 0.333333343 : f32
        %add3A_421 = vector.broadcast %add3A_420 : f32 to vector<16xf32>
        %add3A_422 = arith.addf %add3A_421, %mul3A_419 : vector<16xf32>
        %mul3A_423 = arith.mulf %mul3A_412, %add3A_422 : vector<16xf32>
        %add3A_424 = arith.constant 1.000000e+00 : f32
        %add3A_425 = vector.broadcast %add3A_424 : f32 to vector<16xf32>
        %add3A_426 = arith.addf %add3A_425, %mul3A_423 : vector<16xf32>
        %convert_element_type3A_427 = arith.sitofp %add3A_404 : vector<16xi32> to vector<16xf32>
        %mul3A_428 = arith.constant 0.693147182 : f32
        %mul3A_429 = vector.broadcast %mul3A_428 : f32 to vector<16xf32>
        %mul3A_430 = arith.mulf %convert_element_type3A_427, %mul3A_429 : vector<16xf32>
        %mul3A_431 = arith.constant 2.000000e+00 : f32
        %mul3A_432 = vector.broadcast %mul3A_431 : f32 to vector<16xf32>
        %mul3A_433 = arith.mulf %mul3A_432, %div3A_411 : vector<16xf32>
        %mul3A_434 = arith.mulf %mul3A_433, %add3A_426 : vector<16xf32>
        %add3A_435 = arith.addf %mul3A_430, %mul3A_434 : vector<16xf32>
        %div3A_436 = arith.divf %add3A_377, %add3A_375 : vector<16xf32>
        %sub3A_437 = arith.subf %add3A_435, %div3A_436 : vector<16xf32>
        %mul3A_438 = arith.constant 0.62133491 : f32
        %mul3A_439 = vector.broadcast %mul3A_438 : f32 to vector<16xf32>
        %mul3A_440 = arith.mulf %sub3A_437, %mul3A_439 : vector<16xf32>
        %eq3A = arith.constant 0 : i32
        %eq3A_441 = vector.broadcast %eq3A : i32 to vector<16xi32>
        %eq3A_442 = arith.cmpi eq, %sub3A_208, %eq3A_441 : vector<16xi32>
        %jit3A_443 = arith.constant 1.000000e+00 : f32
        %jit3A_444 = arith.constant 0.000000e+00 : f32
        %broadcast_in_dim3A_445 = vector.broadcast %jit3A_443 : f32 to vector<16xf32>
        %broadcast_in_dim3A_446 = vector.broadcast %jit3A_444 : f32 to vector<16xf32>
        %select_n3A_447 = arith.select %eq3A_442, %broadcast_in_dim3A_445, %broadcast_in_dim3A_446 : vector<16xi1>, vector<16xf32>
        %mul3A_448 = arith.mulf %select_n3A_447, %mul3A_325 : vector<16xf32>
        %add3A_449 = arith.addf %scan3A_171, %mul3A_448 : vector<16xf32>
        %mul3A_450 = arith.mulf %select_n3A_447, %mul3A_440 : vector<16xf32>
        %add3A_451 = arith.addf %scan3A_181, %mul3A_450 : vector<16xf32>
        %add3A_452 = arith.addf %scan3A_191, %select_n3A_447 : vector<16xf32>
        %eq3A_453 = arith.constant 1 : i32
        %eq3A_454 = vector.broadcast %eq3A_453 : i32 to vector<16xi32>
        %eq3A_455 = arith.cmpi eq, %sub3A_208, %eq3A_454 : vector<16xi32>
        %jit3A_456 = arith.constant 1.000000e+00 : f32
        %jit3A_457 = arith.constant 0.000000e+00 : f32
        %broadcast_in_dim3A_458 = vector.broadcast %jit3A_456 : f32 to vector<16xf32>
        %broadcast_in_dim3A_459 = vector.broadcast %jit3A_457 : f32 to vector<16xf32>
        %select_n3A_460 = arith.select %eq3A_455, %broadcast_in_dim3A_458, %broadcast_in_dim3A_459 : vector<16xi1>, vector<16xf32>
        %mul3A_461 = arith.mulf %select_n3A_460, %mul3A_325 : vector<16xf32>
        %add3A_462 = arith.addf %scan3A_172, %mul3A_461 : vector<16xf32>
        %mul3A_463 = arith.mulf %select_n3A_460, %mul3A_440 : vector<16xf32>
        %add3A_464 = arith.addf %scan3A_182, %mul3A_463 : vector<16xf32>
        %add3A_465 = arith.addf %scan3A_192, %select_n3A_460 : vector<16xf32>
        %eq3A_466 = arith.constant 2 : i32
        %eq3A_467 = vector.broadcast %eq3A_466 : i32 to vector<16xi32>
        %eq3A_468 = arith.cmpi eq, %sub3A_208, %eq3A_467 : vector<16xi32>
        %jit3A_469 = arith.constant 1.000000e+00 : f32
        %jit3A_470 = arith.constant 0.000000e+00 : f32
        %broadcast_in_dim3A_471 = vector.broadcast %jit3A_469 : f32 to vector<16xf32>
        %broadcast_in_dim3A_472 = vector.broadcast %jit3A_470 : f32 to vector<16xf32>
        %select_n3A_473 = arith.select %eq3A_468, %broadcast_in_dim3A_471, %broadcast_in_dim3A_472 : vector<16xi1>, vector<16xf32>
        %mul3A_474 = arith.mulf %select_n3A_473, %mul3A_325 : vector<16xf32>
        %add3A_475 = arith.addf %scan3A_173, %mul3A_474 : vector<16xf32>
        %mul3A_476 = arith.mulf %select_n3A_473, %mul3A_440 : vector<16xf32>
        %add3A_477 = arith.addf %scan3A_183, %mul3A_476 : vector<16xf32>
        %add3A_478 = arith.addf %scan3A_193, %select_n3A_473 : vector<16xf32>
        %eq3A_479 = arith.constant 3 : i32
        %eq3A_480 = vector.broadcast %eq3A_479 : i32 to vector<16xi32>
        %eq3A_481 = arith.cmpi eq, %sub3A_208, %eq3A_480 : vector<16xi32>
        %jit3A_482 = arith.constant 1.000000e+00 : f32
        %jit3A_483 = arith.constant 0.000000e+00 : f32
        %broadcast_in_dim3A_484 = vector.broadcast %jit3A_482 : f32 to vector<16xf32>
        %broadcast_in_dim3A_485 = vector.broadcast %jit3A_483 : f32 to vector<16xf32>
        %select_n3A_486 = arith.select %eq3A_481, %broadcast_in_dim3A_484, %broadcast_in_dim3A_485 : vector<16xi1>, vector<16xf32>
        %mul3A_487 = arith.mulf %select_n3A_486, %mul3A_325 : vector<16xf32>
        %add3A_488 = arith.addf %scan3A_174, %mul3A_487 : vector<16xf32>
        %mul3A_489 = arith.mulf %select_n3A_486, %mul3A_440 : vector<16xf32>
        %add3A_490 = arith.addf %scan3A_184, %mul3A_489 : vector<16xf32>
        %add3A_491 = arith.addf %scan3A_194, %select_n3A_486 : vector<16xf32>
        %eq3A_492 = arith.constant 4 : i32
        %eq3A_493 = vector.broadcast %eq3A_492 : i32 to vector<16xi32>
        %eq3A_494 = arith.cmpi eq, %sub3A_208, %eq3A_493 : vector<16xi32>
        %jit3A_495 = arith.constant 1.000000e+00 : f32
        %jit3A_496 = arith.constant 0.000000e+00 : f32
        %broadcast_in_dim3A_497 = vector.broadcast %jit3A_495 : f32 to vector<16xf32>
        %broadcast_in_dim3A_498 = vector.broadcast %jit3A_496 : f32 to vector<16xf32>
        %select_n3A_499 = arith.select %eq3A_494, %broadcast_in_dim3A_497, %broadcast_in_dim3A_498 : vector<16xi1>, vector<16xf32>
        %mul3A_500 = arith.mulf %select_n3A_499, %mul3A_325 : vector<16xf32>
        %add3A_501 = arith.addf %scan3A_175, %mul3A_500 : vector<16xf32>
        %mul3A_502 = arith.mulf %select_n3A_499, %mul3A_440 : vector<16xf32>
        %add3A_503 = arith.addf %scan3A_185, %mul3A_502 : vector<16xf32>
        %add3A_504 = arith.addf %scan3A_195, %select_n3A_499 : vector<16xf32>
        %eq3A_505 = arith.constant 5 : i32
        %eq3A_506 = vector.broadcast %eq3A_505 : i32 to vector<16xi32>
        %eq3A_507 = arith.cmpi eq, %sub3A_208, %eq3A_506 : vector<16xi32>
        %jit3A_508 = arith.constant 1.000000e+00 : f32
        %jit3A_509 = arith.constant 0.000000e+00 : f32
        %broadcast_in_dim3A_510 = vector.broadcast %jit3A_508 : f32 to vector<16xf32>
        %broadcast_in_dim3A_511 = vector.broadcast %jit3A_509 : f32 to vector<16xf32>
        %select_n3A_512 = arith.select %eq3A_507, %broadcast_in_dim3A_510, %broadcast_in_dim3A_511 : vector<16xi1>, vector<16xf32>
        %mul3A_513 = arith.mulf %select_n3A_512, %mul3A_325 : vector<16xf32>
        %add3A_514 = arith.addf %scan3A_176, %mul3A_513 : vector<16xf32>
        %mul3A_515 = arith.mulf %select_n3A_512, %mul3A_440 : vector<16xf32>
        %add3A_516 = arith.addf %scan3A_186, %mul3A_515 : vector<16xf32>
        %add3A_517 = arith.addf %scan3A_196, %select_n3A_512 : vector<16xf32>
        %eq3A_518 = arith.constant 6 : i32
        %eq3A_519 = vector.broadcast %eq3A_518 : i32 to vector<16xi32>
        %eq3A_520 = arith.cmpi eq, %sub3A_208, %eq3A_519 : vector<16xi32>
        %jit3A_521 = arith.constant 1.000000e+00 : f32
        %jit3A_522 = arith.constant 0.000000e+00 : f32
        %broadcast_in_dim3A_523 = vector.broadcast %jit3A_521 : f32 to vector<16xf32>
        %broadcast_in_dim3A_524 = vector.broadcast %jit3A_522 : f32 to vector<16xf32>
        %select_n3A_525 = arith.select %eq3A_520, %broadcast_in_dim3A_523, %broadcast_in_dim3A_524 : vector<16xi1>, vector<16xf32>
        %mul3A_526 = arith.mulf %select_n3A_525, %mul3A_325 : vector<16xf32>
        %add3A_527 = arith.addf %scan3A_177, %mul3A_526 : vector<16xf32>
        %mul3A_528 = arith.mulf %select_n3A_525, %mul3A_440 : vector<16xf32>
        %add3A_529 = arith.addf %scan3A_187, %mul3A_528 : vector<16xf32>
        %add3A_530 = arith.addf %scan3A_197, %select_n3A_525 : vector<16xf32>
        %eq3A_531 = arith.constant 7 : i32
        %eq3A_532 = vector.broadcast %eq3A_531 : i32 to vector<16xi32>
        %eq3A_533 = arith.cmpi eq, %sub3A_208, %eq3A_532 : vector<16xi32>
        %jit3A_534 = arith.constant 1.000000e+00 : f32
        %jit3A_535 = arith.constant 0.000000e+00 : f32
        %broadcast_in_dim3A_536 = vector.broadcast %jit3A_534 : f32 to vector<16xf32>
        %broadcast_in_dim3A_537 = vector.broadcast %jit3A_535 : f32 to vector<16xf32>
        %select_n3A_538 = arith.select %eq3A_533, %broadcast_in_dim3A_536, %broadcast_in_dim3A_537 : vector<16xi1>, vector<16xf32>
        %mul3A_539 = arith.mulf %select_n3A_538, %mul3A_325 : vector<16xf32>
        %add3A_540 = arith.addf %scan3A_178, %mul3A_539 : vector<16xf32>
        %mul3A_541 = arith.mulf %select_n3A_538, %mul3A_440 : vector<16xf32>
        %add3A_542 = arith.addf %scan3A_188, %mul3A_541 : vector<16xf32>
        %add3A_543 = arith.addf %scan3A_198, %select_n3A_538 : vector<16xf32>
        %eq3A_544 = arith.constant 8 : i32
        %eq3A_545 = vector.broadcast %eq3A_544 : i32 to vector<16xi32>
        %eq3A_546 = arith.cmpi eq, %sub3A_208, %eq3A_545 : vector<16xi32>
        %jit3A_547 = arith.constant 1.000000e+00 : f32
        %jit3A_548 = arith.constant 0.000000e+00 : f32
        %broadcast_in_dim3A_549 = vector.broadcast %jit3A_547 : f32 to vector<16xf32>
        %broadcast_in_dim3A_550 = vector.broadcast %jit3A_548 : f32 to vector<16xf32>
        %select_n3A_551 = arith.select %eq3A_546, %broadcast_in_dim3A_549, %broadcast_in_dim3A_550 : vector<16xi1>, vector<16xf32>
        %mul3A_552 = arith.mulf %select_n3A_551, %mul3A_325 : vector<16xf32>
        %add3A_553 = arith.addf %scan3A_179, %mul3A_552 : vector<16xf32>
        %mul3A_554 = arith.mulf %select_n3A_551, %mul3A_440 : vector<16xf32>
        %add3A_555 = arith.addf %scan3A_189, %mul3A_554 : vector<16xf32>
        %add3A_556 = arith.addf %scan3A_199, %select_n3A_551 : vector<16xf32>
        %eq3A_557 = arith.constant 9 : i32
        %eq3A_558 = vector.broadcast %eq3A_557 : i32 to vector<16xi32>
        %eq3A_559 = arith.cmpi eq, %sub3A_208, %eq3A_558 : vector<16xi32>
        %jit3A_560 = arith.constant 1.000000e+00 : f32
        %jit3A_561 = arith.constant 0.000000e+00 : f32
        %broadcast_in_dim3A_562 = vector.broadcast %jit3A_560 : f32 to vector<16xf32>
        %broadcast_in_dim3A_563 = vector.broadcast %jit3A_561 : f32 to vector<16xf32>
        %select_n3A_564 = arith.select %eq3A_559, %broadcast_in_dim3A_562, %broadcast_in_dim3A_563 : vector<16xi1>, vector<16xf32>
        %mul3A_565 = arith.mulf %select_n3A_564, %mul3A_325 : vector<16xf32>
        %add3A_566 = arith.addf %scan3A_180, %mul3A_565 : vector<16xf32>
        %mul3A_567 = arith.mulf %select_n3A_564, %mul3A_440 : vector<16xf32>
        %add3A_568 = arith.addf %scan3A_190, %mul3A_567 : vector<16xf32>
        %add3A_569 = arith.addf %scan3A_200, %select_n3A_564 : vector<16xf32>
        scf.yield %add3A_449, %add3A_462, %add3A_475, %add3A_488, %add3A_501, %add3A_514, %add3A_527, %add3A_540, %add3A_553, %add3A_566, %add3A_451, %add3A_464, %add3A_477, %add3A_490, %add3A_503, %add3A_516, %add3A_529, %add3A_542, %add3A_555, %add3A_568, %add3A_452, %add3A_465, %add3A_478, %add3A_491, %add3A_504, %add3A_517, %add3A_530, %add3A_543, %add3A_556, %add3A_569 : vector<16xf32>, vector<16xf32>, vector<16xf32>, vector<16xf32>, vector<16xf32>, vector<16xf32>, vector<16xf32>, vector<16xf32>, vector<16xf32>, vector<16xf32>, vector<16xf32>, vector<16xf32>, vector<16xf32>, vector<16xf32>, vector<16xf32>, vector<16xf32>, vector<16xf32>, vector<16xf32>, vector<16xf32>, vector<16xf32>, vector<16xf32>, vector<16xf32>, vector<16xf32>, vector<16xf32>, vector<16xf32>, vector<16xf32>, vector<16xf32>, vector<16xf32>, vector<16xf32>, vector<16xf32>
      }
      %scan3A_169 = arith.constant 28 : i32
      scf.yield %scan3A_168#0, %scan3A_168#1, %scan3A_168#2, %scan3A_168#3, %scan3A_168#4, %scan3A_168#5, %scan3A_168#6, %scan3A_168#7, %scan3A_168#8, %scan3A_168#9, %scan3A_168#10, %scan3A_168#11, %scan3A_168#12, %scan3A_168#13, %scan3A_168#14, %scan3A_168#15, %scan3A_168#16, %scan3A_168#17, %scan3A_168#18, %scan3A_168#19, %scan3A_168#20, %scan3A_168#21, %scan3A_168#22, %scan3A_168#23, %scan3A_168#24, %scan3A_168#25, %scan3A_168#26, %scan3A_168#27, %scan3A_168#28, %scan3A_168#29 : vector<16xf32>, vector<16xf32>, vector<16xf32>, vector<16xf32>, vector<16xf32>, vector<16xf32>, vector<16xf32>, vector<16xf32>, vector<16xf32>, vector<16xf32>, vector<16xf32>, vector<16xf32>, vector<16xf32>, vector<16xf32>, vector<16xf32>, vector<16xf32>, vector<16xf32>, vector<16xf32>, vector<16xf32>, vector<16xf32>, vector<16xf32>, vector<16xf32>, vector<16xf32>, vector<16xf32>, vector<16xf32>, vector<16xf32>, vector<16xf32>, vector<16xf32>, vector<16xf32>, vector<16xf32>
    }
    %scan3A_8 = arith.constant 14 : i32
    %swap3A = arith.constant 0 : i32
    %swap3A_9 = arith.index_cast %swap3A : i32 to index
    %swap3A_10 = arith.constant 0 : index
    %swap3A_11 = tpu.vector_load %arg7[%swap3A_9, %swap3A_10] {strides = array<i32>} : memref<30x16xf32, #tpu.memory_space<vmem>>, vector<16xf32>,
    tpu.vector_store %arg7[%swap3A_9, %swap3A_10], %scan3A_7#0 {strides = array<i32>} : memref<30x16xf32, #tpu.memory_space<vmem>>, vector<16xf32>,
    %swap3A_12 = arith.constant 1 : i32
    %swap3A_13 = arith.index_cast %swap3A_12 : i32 to index
    %swap3A_14 = arith.constant 0 : index
    %swap3A_15 = tpu.vector_load %arg7[%swap3A_13, %swap3A_14] {strides = array<i32>} : memref<30x16xf32, #tpu.memory_space<vmem>>, vector<16xf32>,
    tpu.vector_store %arg7[%swap3A_13, %swap3A_14], %scan3A_7#1 {strides = array<i32>} : memref<30x16xf32, #tpu.memory_space<vmem>>, vector<16xf32>,
    %swap3A_16 = arith.constant 2 : i32
    %swap3A_17 = arith.index_cast %swap3A_16 : i32 to index
    %swap3A_18 = arith.constant 0 : index
    %swap3A_19 = tpu.vector_load %arg7[%swap3A_17, %swap3A_18] {strides = array<i32>} : memref<30x16xf32, #tpu.memory_space<vmem>>, vector<16xf32>,
    tpu.vector_store %arg7[%swap3A_17, %swap3A_18], %scan3A_7#2 {strides = array<i32>} : memref<30x16xf32, #tpu.memory_space<vmem>>, vector<16xf32>,
    %swap3A_20 = arith.constant 3 : i32
    %swap3A_21 = arith.index_cast %swap3A_20 : i32 to index
    %swap3A_22 = arith.constant 0 : index
    %swap3A_23 = tpu.vector_load %arg7[%swap3A_21, %swap3A_22] {strides = array<i32>} : memref<30x16xf32, #tpu.memory_space<vmem>>, vector<16xf32>,
    tpu.vector_store %arg7[%swap3A_21, %swap3A_22], %scan3A_7#3 {strides = array<i32>} : memref<30x16xf32, #tpu.memory_space<vmem>>, vector<16xf32>,
    %swap3A_24 = arith.constant 4 : i32
    %swap3A_25 = arith.index_cast %swap3A_24 : i32 to index
    %swap3A_26 = arith.constant 0 : index
    %swap3A_27 = tpu.vector_load %arg7[%swap3A_25, %swap3A_26] {strides = array<i32>} : memref<30x16xf32, #tpu.memory_space<vmem>>, vector<16xf32>,
    tpu.vector_store %arg7[%swap3A_25, %swap3A_26], %scan3A_7#4 {strides = array<i32>} : memref<30x16xf32, #tpu.memory_space<vmem>>, vector<16xf32>,
    %swap3A_28 = arith.constant 5 : i32
    %swap3A_29 = arith.index_cast %swap3A_28 : i32 to index
    %swap3A_30 = arith.constant 0 : index
    %swap3A_31 = tpu.vector_load %arg7[%swap3A_29, %swap3A_30] {strides = array<i32>} : memref<30x16xf32, #tpu.memory_space<vmem>>, vector<16xf32>,
    tpu.vector_store %arg7[%swap3A_29, %swap3A_30], %scan3A_7#5 {strides = array<i32>} : memref<30x16xf32, #tpu.memory_space<vmem>>, vector<16xf32>,
    %swap3A_32 = arith.constant 6 : i32
    %swap3A_33 = arith.index_cast %swap3A_32 : i32 to index
    %swap3A_34 = arith.constant 0 : index
    %swap3A_35 = tpu.vector_load %arg7[%swap3A_33, %swap3A_34] {strides = array<i32>} : memref<30x16xf32, #tpu.memory_space<vmem>>, vector<16xf32>,
    tpu.vector_store %arg7[%swap3A_33, %swap3A_34], %scan3A_7#6 {strides = array<i32>} : memref<30x16xf32, #tpu.memory_space<vmem>>, vector<16xf32>,
    %swap3A_36 = arith.constant 7 : i32
    %swap3A_37 = arith.index_cast %swap3A_36 : i32 to index
    %swap3A_38 = arith.constant 0 : index
    %swap3A_39 = tpu.vector_load %arg7[%swap3A_37, %swap3A_38] {strides = array<i32>} : memref<30x16xf32, #tpu.memory_space<vmem>>, vector<16xf32>,
    tpu.vector_store %arg7[%swap3A_37, %swap3A_38], %scan3A_7#7 {strides = array<i32>} : memref<30x16xf32, #tpu.memory_space<vmem>>, vector<16xf32>,
    %swap3A_40 = arith.constant 8 : i32
    %swap3A_41 = arith.index_cast %swap3A_40 : i32 to index
    %swap3A_42 = arith.constant 0 : index
    %swap3A_43 = tpu.vector_load %arg7[%swap3A_41, %swap3A_42] {strides = array<i32>} : memref<30x16xf32, #tpu.memory_space<vmem>>, vector<16xf32>,
    tpu.vector_store %arg7[%swap3A_41, %swap3A_42], %scan3A_7#8 {strides = array<i32>} : memref<30x16xf32, #tpu.memory_space<vmem>>, vector<16xf32>,
    %swap3A_44 = arith.constant 9 : i32
    %swap3A_45 = arith.index_cast %swap3A_44 : i32 to index
    %swap3A_46 = arith.constant 0 : index
    %swap3A_47 = tpu.vector_load %arg7[%swap3A_45, %swap3A_46] {strides = array<i32>} : memref<30x16xf32, #tpu.memory_space<vmem>>, vector<16xf32>,
    tpu.vector_store %arg7[%swap3A_45, %swap3A_46], %scan3A_7#9 {strides = array<i32>} : memref<30x16xf32, #tpu.memory_space<vmem>>, vector<16xf32>,
    %swap3A_48 = arith.constant 10 : i32
    %swap3A_49 = arith.index_cast %swap3A_48 : i32 to index
    %swap3A_50 = arith.constant 0 : index
    %swap3A_51 = tpu.vector_load %arg7[%swap3A_49, %swap3A_50] {strides = array<i32>} : memref<30x16xf32, #tpu.memory_space<vmem>>, vector<16xf32>,
    tpu.vector_store %arg7[%swap3A_49, %swap3A_50], %scan3A_7#10 {strides = array<i32>} : memref<30x16xf32, #tpu.memory_space<vmem>>, vector<16xf32>,
    %swap3A_52 = arith.constant 11 : i32
    %swap3A_53 = arith.index_cast %swap3A_52 : i32 to index
    %swap3A_54 = arith.constant 0 : index
    %swap3A_55 = tpu.vector_load %arg7[%swap3A_53, %swap3A_54] {strides = array<i32>} : memref<30x16xf32, #tpu.memory_space<vmem>>, vector<16xf32>,
    tpu.vector_store %arg7[%swap3A_53, %swap3A_54], %scan3A_7#11 {strides = array<i32>} : memref<30x16xf32, #tpu.memory_space<vmem>>, vector<16xf32>,
    %swap3A_56 = arith.constant 12 : i32
    %swap3A_57 = arith.index_cast %swap3A_56 : i32 to index
    %swap3A_58 = arith.constant 0 : index
    %swap3A_59 = tpu.vector_load %arg7[%swap3A_57, %swap3A_58] {strides = array<i32>} : memref<30x16xf32, #tpu.memory_space<vmem>>, vector<16xf32>,
    tpu.vector_store %arg7[%swap3A_57, %swap3A_58], %scan3A_7#12 {strides = array<i32>} : memref<30x16xf32, #tpu.memory_space<vmem>>, vector<16xf32>,
    %swap3A_60 = arith.constant 13 : i32
    %swap3A_61 = arith.index_cast %swap3A_60 : i32 to index
    %swap3A_62 = arith.constant 0 : index
    %swap3A_63 = tpu.vector_load %arg7[%swap3A_61, %swap3A_62] {strides = array<i32>} : memref<30x16xf32, #tpu.memory_space<vmem>>, vector<16xf32>,
    tpu.vector_store %arg7[%swap3A_61, %swap3A_62], %scan3A_7#13 {strides = array<i32>} : memref<30x16xf32, #tpu.memory_space<vmem>>, vector<16xf32>,
    %swap3A_64 = arith.constant 14 : i32
    %swap3A_65 = arith.index_cast %swap3A_64 : i32 to index
    %swap3A_66 = arith.constant 0 : index
    %swap3A_67 = tpu.vector_load %arg7[%swap3A_65, %swap3A_66] {strides = array<i32>} : memref<30x16xf32, #tpu.memory_space<vmem>>, vector<16xf32>,
    tpu.vector_store %arg7[%swap3A_65, %swap3A_66], %scan3A_7#14 {strides = array<i32>} : memref<30x16xf32, #tpu.memory_space<vmem>>, vector<16xf32>,
    %swap3A_68 = arith.constant 15 : i32
    %swap3A_69 = arith.index_cast %swap3A_68 : i32 to index
    %swap3A_70 = arith.constant 0 : index
    %swap3A_71 = tpu.vector_load %arg7[%swap3A_69, %swap3A_70] {strides = array<i32>} : memref<30x16xf32, #tpu.memory_space<vmem>>, vector<16xf32>,
    tpu.vector_store %arg7[%swap3A_69, %swap3A_70], %scan3A_7#15 {strides = array<i32>} : memref<30x16xf32, #tpu.memory_space<vmem>>, vector<16xf32>,
    %swap3A_72 = arith.constant 16 : i32
    %swap3A_73 = arith.index_cast %swap3A_72 : i32 to index
    %swap3A_74 = arith.constant 0 : index
    %swap3A_75 = tpu.vector_load %arg7[%swap3A_73, %swap3A_74] {strides = array<i32>} : memref<30x16xf32, #tpu.memory_space<vmem>>, vector<16xf32>,
    tpu.vector_store %arg7[%swap3A_73, %swap3A_74], %scan3A_7#16 {strides = array<i32>} : memref<30x16xf32, #tpu.memory_space<vmem>>, vector<16xf32>,
    %swap3A_76 = arith.constant 17 : i32
    %swap3A_77 = arith.index_cast %swap3A_76 : i32 to index
    %swap3A_78 = arith.constant 0 : index
    %swap3A_79 = tpu.vector_load %arg7[%swap3A_77, %swap3A_78] {strides = array<i32>} : memref<30x16xf32, #tpu.memory_space<vmem>>, vector<16xf32>,
    tpu.vector_store %arg7[%swap3A_77, %swap3A_78], %scan3A_7#17 {strides = array<i32>} : memref<30x16xf32, #tpu.memory_space<vmem>>, vector<16xf32>,
    %swap3A_80 = arith.constant 18 : i32
    %swap3A_81 = arith.index_cast %swap3A_80 : i32 to index
    %swap3A_82 = arith.constant 0 : index
    %swap3A_83 = tpu.vector_load %arg7[%swap3A_81, %swap3A_82] {strides = array<i32>} : memref<30x16xf32, #tpu.memory_space<vmem>>, vector<16xf32>,
    tpu.vector_store %arg7[%swap3A_81, %swap3A_82], %scan3A_7#18 {strides = array<i32>} : memref<30x16xf32, #tpu.memory_space<vmem>>, vector<16xf32>,
    %swap3A_84 = arith.constant 19 : i32
    %swap3A_85 = arith.index_cast %swap3A_84 : i32 to index
    %swap3A_86 = arith.constant 0 : index
    %swap3A_87 = tpu.vector_load %arg7[%swap3A_85, %swap3A_86] {strides = array<i32>} : memref<30x16xf32, #tpu.memory_space<vmem>>, vector<16xf32>,
    tpu.vector_store %arg7[%swap3A_85, %swap3A_86], %scan3A_7#19 {strides = array<i32>} : memref<30x16xf32, #tpu.memory_space<vmem>>, vector<16xf32>,
    %swap3A_88 = arith.constant 20 : i32
    %swap3A_89 = arith.index_cast %swap3A_88 : i32 to index
    %swap3A_90 = arith.constant 0 : index
    %swap3A_91 = tpu.vector_load %arg7[%swap3A_89, %swap3A_90] {strides = array<i32>} : memref<30x16xf32, #tpu.memory_space<vmem>>, vector<16xf32>,
    tpu.vector_store %arg7[%swap3A_89, %swap3A_90], %scan3A_7#20 {strides = array<i32>} : memref<30x16xf32, #tpu.memory_space<vmem>>, vector<16xf32>,
    %swap3A_92 = arith.constant 21 : i32
    %swap3A_93 = arith.index_cast %swap3A_92 : i32 to index
    %swap3A_94 = arith.constant 0 : index
    %swap3A_95 = tpu.vector_load %arg7[%swap3A_93, %swap3A_94] {strides = array<i32>} : memref<30x16xf32, #tpu.memory_space<vmem>>, vector<16xf32>,
    tpu.vector_store %arg7[%swap3A_93, %swap3A_94], %scan3A_7#21 {strides = array<i32>} : memref<30x16xf32, #tpu.memory_space<vmem>>, vector<16xf32>,
    %swap3A_96 = arith.constant 22 : i32
    %swap3A_97 = arith.index_cast %swap3A_96 : i32 to index
    %swap3A_98 = arith.constant 0 : index
    %swap3A_99 = tpu.vector_load %arg7[%swap3A_97, %swap3A_98] {strides = array<i32>} : memref<30x16xf32, #tpu.memory_space<vmem>>, vector<16xf32>,
    tpu.vector_store %arg7[%swap3A_97, %swap3A_98], %scan3A_7#22 {strides = array<i32>} : memref<30x16xf32, #tpu.memory_space<vmem>>, vector<16xf32>,
    %swap3A_100 = arith.constant 23 : i32
    %swap3A_101 = arith.index_cast %swap3A_100 : i32 to index
    %swap3A_102 = arith.constant 0 : index
    %swap3A_103 = tpu.vector_load %arg7[%swap3A_101, %swap3A_102] {strides = array<i32>} : memref<30x16xf32, #tpu.memory_space<vmem>>, vector<16xf32>,
    tpu.vector_store %arg7[%swap3A_101, %swap3A_102], %scan3A_7#23 {strides = array<i32>} : memref<30x16xf32, #tpu.memory_space<vmem>>, vector<16xf32>,
    %swap3A_104 = arith.constant 24 : i32
    %swap3A_105 = arith.index_cast %swap3A_104 : i32 to index
    %swap3A_106 = arith.constant 0 : index
    %swap3A_107 = tpu.vector_load %arg7[%swap3A_105, %swap3A_106] {strides = array<i32>} : memref<30x16xf32, #tpu.memory_space<vmem>>, vector<16xf32>,
    tpu.vector_store %arg7[%swap3A_105, %swap3A_106], %scan3A_7#24 {strides = array<i32>} : memref<30x16xf32, #tpu.memory_space<vmem>>, vector<16xf32>,
    %swap3A_108 = arith.constant 25 : i32
    %swap3A_109 = arith.index_cast %swap3A_108 : i32 to index
    %swap3A_110 = arith.constant 0 : index
    %swap3A_111 = tpu.vector_load %arg7[%swap3A_109, %swap3A_110] {strides = array<i32>} : memref<30x16xf32, #tpu.memory_space<vmem>>, vector<16xf32>,
    tpu.vector_store %arg7[%swap3A_109, %swap3A_110], %scan3A_7#25 {strides = array<i32>} : memref<30x16xf32, #tpu.memory_space<vmem>>, vector<16xf32>,
    %swap3A_112 = arith.constant 26 : i32
    %swap3A_113 = arith.index_cast %swap3A_112 : i32 to index
    %swap3A_114 = arith.constant 0 : index
    %swap3A_115 = tpu.vector_load %arg7[%swap3A_113, %swap3A_114] {strides = array<i32>} : memref<30x16xf32, #tpu.memory_space<vmem>>, vector<16xf32>,
    tpu.vector_store %arg7[%swap3A_113, %swap3A_114], %scan3A_7#26 {strides = array<i32>} : memref<30x16xf32, #tpu.memory_space<vmem>>, vector<16xf32>,
    %swap3A_116 = arith.constant 27 : i32
    %swap3A_117 = arith.index_cast %swap3A_116 : i32 to index
    %swap3A_118 = arith.constant 0 : index
    %swap3A_119 = tpu.vector_load %arg7[%swap3A_117, %swap3A_118] {strides = array<i32>} : memref<30x16xf32, #tpu.memory_space<vmem>>, vector<16xf32>,
    tpu.vector_store %arg7[%swap3A_117, %swap3A_118], %scan3A_7#27 {strides = array<i32>} : memref<30x16xf32, #tpu.memory_space<vmem>>, vector<16xf32>,
    %swap3A_120 = arith.constant 28 : i32
    %swap3A_121 = arith.index_cast %swap3A_120 : i32 to index
    %swap3A_122 = arith.constant 0 : index
    %swap3A_123 = tpu.vector_load %arg7[%swap3A_121, %swap3A_122] {strides = array<i32>} : memref<30x16xf32, #tpu.memory_space<vmem>>, vector<16xf32>,
    tpu.vector_store %arg7[%swap3A_121, %swap3A_122], %scan3A_7#28 {strides = array<i32>} : memref<30x16xf32, #tpu.memory_space<vmem>>, vector<16xf32>,
    %swap3A_124 = arith.constant 29 : i32
    %swap3A_125 = arith.index_cast %swap3A_124 : i32 to index
    %swap3A_126 = arith.constant 0 : index
    %swap3A_127 = tpu.vector_load %arg7[%swap3A_125, %swap3A_126] {strides = array<i32>} : memref<30x16xf32, #tpu.memory_space<vmem>>, vector<16xf32>,
    tpu.vector_store %arg7[%swap3A_125, %swap3A_126], %scan3A_7#29 {strides = array<i32>} : memref<30x16xf32, #tpu.memory_space<vmem>>, vector<16xf32>,
    "tpu.region"() ({
      %run_scoped3A = tpu.sem_alloc : memref<!tpu.dma_semaphore, #tpu.memory_space<semaphore_mem>>
      %dma_start3A = arith.constant 0 : i32
      %dma_start3A_128 = arith.constant 0 : i32
      %dma_start3A_129 = tpu.memref_slice %arg4[%add3A, %dma_start3A, %dma_start3A_128] : memref<32x30x16xf32, #tpu.memory_space<hbm>> -> memref<1x30x16xf32, #tpu.memory_space<hbm>>
      %dma_start3A_130 = tpu.memref_squeeze %dma_start3A_129 : memref<1x30x16xf32, #tpu.memory_space<hbm>> -> memref<30x16xf32, #tpu.memory_space<hbm>>
      %dma_start3A_131 = arith.constant 0 : i32
      %dma_start3A_132 = arith.constant 0 : i32
      %dma_start3A_133 = tpu.memref_slice %arg4[%add3A, %dma_start3A_131, %dma_start3A_132] : memref<32x30x16xf32, #tpu.memory_space<hbm>> -> memref<1x30x16xf32, #tpu.memory_space<hbm>>
      %dma_start3A_134 = tpu.memref_squeeze %dma_start3A_133 : memref<1x30x16xf32, #tpu.memory_space<hbm>> -> memref<30x16xf32, #tpu.memory_space<hbm>>
      tpu.enqueue_dma source(%arg7 : memref<30x16xf32, #tpu.memory_space<vmem>>) target(%dma_start3A_134 : memref<30x16xf32, #tpu.memory_space<hbm>>) target_semaphore(%run_scoped3A : memref<!tpu.dma_semaphore, #tpu.memory_space<semaphore_mem>>)
      %dma_wait3A = arith.constant 0 : i32
      %dma_wait3A_135 = arith.constant 0 : i32
      %dma_wait3A_136 = tpu.memref_slice %arg4[%add3A, %dma_wait3A, %dma_wait3A_135] : memref<32x30x16xf32, #tpu.memory_space<hbm>> -> memref<1x30x16xf32, #tpu.memory_space<hbm>>
      %dma_wait3A_137 = tpu.memref_squeeze %dma_wait3A_136 : memref<1x30x16xf32, #tpu.memory_space<hbm>> -> memref<30x16xf32, #tpu.memory_space<hbm>>
      %dma_wait3A_138 = arith.constant 0 : i32
      %dma_wait3A_139 = arith.constant 0 : i32
      %dma_wait3A_140 = tpu.memref_slice %arg4[%add3A, %dma_wait3A_138, %dma_wait3A_139] : memref<32x30x16xf32, #tpu.memory_space<hbm>> -> memref<1x30x16xf32, #tpu.memory_space<hbm>>
      %dma_wait3A_141 = tpu.memref_squeeze %dma_wait3A_140 : memref<1x30x16xf32, #tpu.memory_space<hbm>> -> memref<30x16xf32, #tpu.memory_space<hbm>>
      tpu.wait_dma2 semaphore(%run_scoped3A : memref<!tpu.dma_semaphore, #tpu.memory_space<semaphore_mem>>) src(%arg7 : memref<30x16xf32, #tpu.memory_space<vmem>>) dst(%dma_wait3A_141 : memref<30x16xf32, #tpu.memory_space<hbm>>)
      tpu.yield
    }) : () -> ()
    return
  }
}

module attributes {stable_mosaic.version = 14 : i64} {
  func.func @_combine_body(%arg0: memref<32x30x16xf32, #tpu.memory_space<vmem>>, %arg1: memref<1x1xf32, #tpu.memory_space<vmem>>) attributes {dimension_semantics = [], scalar_prefetch = 0 : i64, scratch_operands = 0 : i64, tpu.core_type = #tpu.core_type<tc>} {
    %get3A = arith.constant 0 : index
    %get3A_0 = arith.constant 0 : index
    %get3A_1 = arith.constant 0 : index
    %get3A_2 = vector.load %arg0[%get3A, %get3A_0, %get3A_1] : memref<32x30x16xf32, #tpu.memory_space<vmem>>, vector<32x30x16xf32>
    %reduce_sum3A = arith.constant dense<0.000000e+00> : vector<32x30xf32>
    %reduce_sum3A_3 = vector.multi_reduction <add>, %get3A_2, %reduce_sum3A [2] : vector<32x30x16xf32> to vector<32x30xf32>
    %iota3A = tpu.iota {dimensions = array<i32: 1>} : vector<4x32xi32>
    %iota3A_4 = tpu.iota {dimensions = array<i32: 0>} : vector<4x32xi32>
    %jit3A = arith.constant 8 : i32
    %div3A = vector.broadcast %jit3A : i32 to vector<4x32xi32>
    %div3A_5 = arith.divsi %iota3A, %div3A : vector<4x32xi32>
    %sign3A = arith.constant 0 : i32
    %sign3A_6 = vector.broadcast %sign3A : i32 to vector<4x32xi32>
    %sign3A_7 = arith.cmpi sgt, %iota3A, %sign3A_6 : vector<4x32xi32>
    %sign3A_8 = arith.extui %sign3A_7 : vector<4x32xi1> to vector<4x32xi32>
    %sign3A_9 = arith.constant 0 : i32
    %sign3A_10 = vector.broadcast %sign3A_9 : i32 to vector<4x32xi32>
    %sign3A_11 = arith.cmpi slt, %iota3A, %sign3A_10 : vector<4x32xi32>
    %sign3A_12 = arith.extui %sign3A_11 : vector<4x32xi1> to vector<4x32xi32>
    %sign3A_13 = arith.subi %sign3A_8, %sign3A_12 : vector<4x32xi32>
    %sign3A_14 = arith.constant 0 : i32
    %sign3A_15 = arith.cmpi sgt, %jit3A, %sign3A_14 : i32
    %sign3A_16 = arith.extui %sign3A_15 : i1 to i32
    %sign3A_17 = arith.constant 0 : i32
    %sign3A_18 = arith.cmpi slt, %jit3A, %sign3A_17 : i32
    %sign3A_19 = arith.extui %sign3A_18 : i1 to i32
    %sign3A_20 = arith.subi %sign3A_16, %sign3A_19 : i32
    %ne3A = vector.broadcast %sign3A_20 : i32 to vector<4x32xi32>
    %ne3A_21 = arith.cmpi ne, %sign3A_13, %ne3A : vector<4x32xi32>
    %rem3A = vector.broadcast %jit3A : i32 to vector<4x32xi32>
    %rem3A_22 = arith.remsi %iota3A, %rem3A : vector<4x32xi32>
    %ne3A_23 = arith.constant 0 : i32
    %ne3A_24 = vector.broadcast %ne3A_23 : i32 to vector<4x32xi32>
    %ne3A_25 = arith.cmpi ne, %rem3A_22, %ne3A_24 : vector<4x32xi32>
    %and3A = arith.andi %ne3A_21, %ne3A_25 : vector<4x32xi1>
    %sub3A = arith.constant 1 : i32
    %sub3A_26 = vector.broadcast %sub3A : i32 to vector<4x32xi32>
    %sub3A_27 = arith.subi %div3A_5, %sub3A_26 : vector<4x32xi32>
    %select_n3A = arith.select %and3A, %sub3A_27, %div3A_5 : vector<4x32xi1>, vector<4x32xi32>
    %eq3A = arith.cmpi eq, %select_n3A, %iota3A_4 : vector<4x32xi32>
    %convert_element_type3A = arith.extui %eq3A : vector<4x32xi1> to vector<4x32xi32>
    %convert_element_type3A_28 = arith.sitofp %convert_element_type3A : vector<4x32xi32> to vector<4x32xf32>
    %dot_general3A = arith.constant dense<0.000000e+00> : vector<4x30xf32>
    %dot_general3A_29 = tpu.matmul %convert_element_type3A_28, %reduce_sum3A_3, %dot_general3A {dimension_numbers = #tpu.dot_dimension_numbers<[1], [0], [0], [1], [0, 0, 1, 1], [], []>, transpose_lhs_hint = false} : vector<4x32xf32>, vector<32x30xf32>, vector<4x30xf32> -> vector<4x30xf32>
    %slice3A = vector.extract_strided_slice %dot_general3A_29 {offsets = [0, 0], sizes = [4, 10], strides = [1, 1]} : vector<4x30xf32> to vector<4x10xf32>
    %slice3A_30 = vector.extract_strided_slice %dot_general3A_29 {offsets = [0, 10], sizes = [4, 10], strides = [1, 1]} : vector<4x30xf32> to vector<4x10xf32>
    %slice3A_31 = vector.extract_strided_slice %dot_general3A_29 {offsets = [0, 20], sizes = [4, 10], strides = [1, 1]} : vector<4x30xf32> to vector<4x10xf32>
    %gt3A = arith.constant 0.000000e+00 : f32
    %gt3A_32 = vector.broadcast %gt3A : f32 to vector<4x10xf32>
    %gt3A_33 = arith.cmpf ogt, %slice3A_31, %gt3A_32 : vector<4x10xf32>
    %jit3A_34 = arith.constant 1.000000e+00 : f32
    %broadcast_in_dim3A = vector.broadcast %jit3A_34 : f32 to vector<4x10xf32>
    %select_n3A_35 = arith.select %gt3A_33, %slice3A_31, %broadcast_in_dim3A : vector<4x10xi1>, vector<4x10xf32>
    %add3A = arith.addf %slice3A, %slice3A_30 : vector<4x10xf32>
    %div3A_36 = arith.divf %add3A, %select_n3A_35 : vector<4x10xf32>
    %jit3A_37 = arith.constant 0.000000e+00 : f32
    %broadcast_in_dim3A_38 = vector.broadcast %jit3A_37 : f32 to vector<4x10xf32>
    %select_n3A_39 = arith.select %gt3A_33, %div3A_36, %broadcast_in_dim3A_38 : vector<4x10xi1>, vector<4x10xf32>
    %convert_element_type3A_40 = arith.extui %gt3A_33 : vector<4x10xi1> to vector<4x10xi32>
    %convert_element_type3A_41 = arith.sitofp %convert_element_type3A_40 : vector<4x10xi32> to vector<4x10xf32>
    %reduce_sum3A_42 = vector.shape_cast %convert_element_type3A_41 : vector<4x10xf32> to vector<1x4x10xf32>
    %reduce_sum3A_43 = arith.constant dense<0.000000e+00> : vector<1xf32>
    %reduce_sum3A_44 = vector.multi_reduction <add>, %reduce_sum3A_42, %reduce_sum3A_43 [1, 2] : vector<1x4x10xf32> to vector<1xf32>
    %reduce_sum3A_45 = vector.shape_cast %reduce_sum3A_44 : vector<1xf32> to vector<1x1x1xf32>
    %reduce_sum3A_46 = vector.extract %reduce_sum3A_45[0, 0, 0] : f32 from vector<1x1x1xf32>
    %mul3A = arith.constant 2.000000e+00 : f32
    %mul3A_47 = arith.mulf %mul3A, %reduce_sum3A_46 : f32
    %reduce_sum3A_48 = vector.shape_cast %select_n3A_39 : vector<4x10xf32> to vector<1x4x10xf32>
    %reduce_sum3A_49 = arith.constant dense<0.000000e+00> : vector<1xf32>
    %reduce_sum3A_50 = vector.multi_reduction <add>, %reduce_sum3A_48, %reduce_sum3A_49 [1, 2] : vector<1x4x10xf32> to vector<1xf32>
    %reduce_sum3A_51 = vector.shape_cast %reduce_sum3A_50 : vector<1xf32> to vector<1x1x1xf32>
    %reduce_sum3A_52 = vector.extract %reduce_sum3A_51[0, 0, 0] : f32 from vector<1x1x1xf32>
    %gt3A_53 = arith.constant 0.000000e+00 : f32
    %gt3A_54 = arith.cmpf ogt, %mul3A_47, %gt3A_53 : f32
    %div3A_55 = arith.divf %reduce_sum3A_52, %mul3A_47 : f32
    %jit3A_56 = arith.constant 0.000000e+00 : f32
    %select_n3A_57 = arith.select %gt3A_54, %div3A_55, %jit3A_56 : f32
    %broadcast_in_dim3A_58 = vector.broadcast %select_n3A_57 : f32 to vector<1x1xf32>
    %swap3A = arith.constant 0 : index
    %swap3A_59 = arith.constant 0 : index
    %swap3A_60 = vector.load %arg1[%swap3A, %swap3A_59] : memref<1x1xf32, #tpu.memory_space<vmem>>, vector<1x1xf32>
    tpu.vector_store %arg1[%swap3A, %swap3A_59], %broadcast_in_dim3A_58 {strides = array<i32>} : memref<1x1xf32, #tpu.memory_space<vmem>>, vector<1x1xf32>,
    return
  }
}

</mosaic_0001>

<sc_bundles>
// kernel: kernel.4.cloned.1.call-start
scs
__scs_entry_jumppad:
0x0: {  	(pc) =	sbr.rel $0x88, $3  }
0x1: {  	(tag) =	ssettag $0x0;
	lr =	simm.s32 $0x1  }
0x2: {  	[smem:$0x3F9F] =	sst lr;
	_ =	strace $0xD0000000  }
0x3: {  	_ = 	snop  }
0x4: {  	_ = 	snop  }
0x5: {  	_ = 	snop  }
0x6: {  	_ = 	snop  }
0x7: {  	_ = 	snop  }
__scs_overlays_trampoline_lowered:
0x8: {  	[smem:$0x3FAE] =	sst s0  }
0x9: {  	[smem:$0x3FAF] =	sst s1  }
0xa: {  	[smem:$0x3FB0] =	sst s2  }
0xb: {  	[smem:$0x3FB1] =	sst s3  }
0xc: {  	[smem:$0x3FB2] =	sst s4  }
0xd: {  	[smem:$0x3FB3] =	sst s5  }
0xe: {  	[smem:$0x3FB4] =	sst s6  }
0xf: {  	[smem:$0x3FB5] =	sst s7  }
0x10: {  	[smem:$0x3FB6] =	sst s8  }
0x11: {  	[smem:$0x3FB7] =	sst s9;
	s0 =	simm.s32 @!p0 $0x0  }
0x12: {  	s1 =	sld [smem:$0x3F9D];
	s0 =	simm.s32 @p0 $0x1  }
0x13: {  	[smem:$0x3FB8] =	sst s0;
	s0 =	simm.s32 @!p1 $0x0  }
0x14: {  	s2 =	sld [smem:$0x3F9C];
	s0 =	simm.s32 @p1 $0x1  }
0x15: {  	[smem:$0x3FB9] =	sst s0;
	s0 =	simm.s32 @!p2 $0x0  }
0x16: {  	s3 =	sld [smem:$0x3FDB];
	s0 =	simm.s32 @p2 $0x1  }
0x17: {  	s4 =	simm.s32 $0x1BF5;
	[smem:$0x3FBB] =	sst s0  }
0x18: {  	s0 =	sld [smem:$0x3F9E];
	_ =	swait.ge [sflag:s4], $0x0  }
0x19: {  	s7 =	sld [smem:$0x3F9F]  }
0x1a: {  	s8 =	sadd.s32 $0xFFFFE003, lr  }
0x1b: {  	s9 =	sadd.s32 $0xFFFFFEF7, lr;
	s5 =	simm.s32 $0xFFFFFFFF;
	p2 =	slt.u32 s8, $0xFFFFF086  }
0x1c: {  	p1 =	slt.u32 s9, $0xF7A;
	s5 =	simm.s32 @!p2 $0x0  }
0x1d: {  	s5 =	simm.s32 @p1 $0x1;
	p0 =	seq.s32 s7, s2  }
0x1e: {  	s7 =	smul.u32 @!p0 $0xF7A, s2;
	p2 =	seq.s32 @!p0 s5, $0x0  }
0x1f: {  	s9 =	smul.u32 $0xF7A, s1;
	s8 =	simm.s32 @!p0 $0x1BF5;
	p2 =	por !p2, p0  }
0x20: {  	[sflag:s8] =	ssyncset.s32 @!p0 $0xFFFFF086;
	s6 =	sadd.s32 @!p0 s3, s7;
	s7 =	simm.s32 @!p0 $0x108  }
0x21: {  	s3 =	sadd.s32 s3, s9;
	s6 =	sadd.s32 @!p0 $0x88, s6;
	s7 =	simm.s32 @p2 $0x1082  }
0x22: {  	[simem:s7], [sflag:s8] =	dma.local @!p0 [hbm:s6], $0xF7A  }
0x23: {  	s9 =	sor.u32 $0xD0000000, s2;
	s6 =	simm.s32 $0x108;
	_ =	swait.ge @!p0 [sflag:s8], $0x0  }
0x24: {  	s3 =	sadd.s32 $0x88, s3;
	s6 =	simm.s32 @!p1 $0x1082;
	[sflag:s4] =	ssyncset.s32 $0xFFFFF086  }
0x25: {  	[simem:s6], [sflag:s4] =	dma.local [hbm:s3], $0xF7A  }
0x26: {  	[smem:$0x3F9F] =	sst s1;
	(tag) =	ssettag s2;
	_ =	strace s9  }
0x27: {  	s1 =	sld [smem:$0x3FAF]  }
0x28: {  	s2 =	sld [smem:$0x3FB0]  }
0x29: {  	s4 =	sld [smem:$0x3FB2]  }
0x2a: {  	p0 =	seq.s32 s5, $0x0;
	s5 =	sld [smem:$0x3FB3]  }
0x2b: {  	s6 =	sld [smem:$0x3FB4]  }
0x2c: {  	s7 =	sld [smem:$0x3FB5]  }
0x2d: {  	s3 =	simm.s32 $0x108;
	s8 =	sld [smem:$0x3FB6]  }
0x2e: {  	s3 =	simm.s32 @!p0 $0x1082;
	s9 =	sld [smem:$0x3FB7]  }
0x2f: {  	lr =	sadd.s32 s0, s3;
	s0 =	sld [smem:$0x3FAE]  }
0x30: {  	s3 =	sld [smem:$0x3FB1]  }
0x31: {  	[smem:$0x3FBA] =	sst s10  }
0x32: {  	s10 =	sld [smem:$0x3FB8];
	_ =	sdelay $0x3  }
0x33: {  	p0 =	seq.s32 s10, $0x1;
	s10 =	sld [smem:$0x3FBA];
	_ =	sdelay $0x3  }
0x34: {  	[smem:$0x3FBA] =	sst s10  }
0x35: {  	s10 =	sld [smem:$0x3FB9];
	_ =	sdelay $0x3  }
0x36: {  	p1 =	seq.s32 s10, $0x1;
	s10 =	sld [smem:$0x3FBA];
	_ =	sdelay $0x3  }
0x37: {  	[smem:$0x3FBA] =	sst s10  }
0x38: {  	s10 =	sld [smem:$0x3FBB]  }
0x39: {  	_ = 	snop;
	(pc) =	sbr.ind lr, $3  }
0x3a: {  	_ = 	snop  }
0x3b: {  	_ = 	snop  }
0x3c: {  	p2 =	seq.s32 s10, $0x1;
	s10 =	sld [smem:$0x3FBA]  }
0x3d: {  	_ =	shalt  }
0x3e: {  	_ =	shalt  }
0x3f: {  	_ =	shalt  }
0x40: {  	_ =	shalt  }
0x41: {  	_ =	shalt  }
0x42: {  	_ =	shalt  }
0x43: {  	_ =	shalt  }
0x44: {  	_ =	shalt  }
0x45: {  	_ =	shalt  }
0x46: {  	_ =	shalt  }
0x47: {  	_ =	shalt  }
0x48: {  	_ =	shalt  }
0x49: {  	_ =	shalt  }
0x4a: {  	_ =	shalt  }
0x4b: {  	_ =	shalt  }
0x4c: {  	_ =	shalt  }
0x4d: {  	_ =	shalt  }
0x4e: {  	_ =	shalt  }
0x4f: {  	_ =	shalt  }
0x50: {  	_ =	shalt  }
0x51: {  	_ =	shalt  }
0x52: {  	_ =	shalt  }
0x53: {  	_ =	shalt  }
0x54: {  	_ =	shalt  }
0x55: {  	_ =	shalt  }
0x56: {  	_ =	shalt  }
0x57: {  	_ =	shalt  }
0x58: {  	_ =	shalt  }
0x59: {  	_ =	shalt  }
0x5a: {  	_ =	shalt  }
0x5b: {  	_ =	shalt  }
0x5c: {  	_ =	shalt  }
0x5d: {  	_ =	shalt  }
0x5e: {  	_ =	shalt  }
0x5f: {  	_ =	shalt  }
0x60: {  	_ =	shalt  }
0x61: {  	_ =	shalt  }
0x62: {  	_ =	shalt  }
0x63: {  	_ =	shalt  }
0x64: {  	_ =	shalt  }
0x65: {  	_ =	shalt  }
0x66: {  	_ =	shalt  }
0x67: {  	_ =	shalt  }
0x68: {  	_ =	shalt  }
0x69: {  	_ =	shalt  }
0x6a: {  	_ =	shalt  }
0x6b: {  	_ =	shalt  }
0x6c: {  	_ =	shalt  }
0x6d: {  	_ =	shalt  }
0x6e: {  	_ =	shalt  }
0x6f: {  	_ =	shalt  }
0x70: {  	_ =	shalt  }
0x71: {  	_ =	shalt  }
0x72: {  	_ =	shalt  }
0x73: {  	_ =	shalt  }
0x74: {  	_ =	shalt  }
0x75: {  	_ =	shalt  }
0x76: {  	_ =	shalt  }
0x77: {  	_ =	shalt  }
0x78: {  	_ =	shalt  }
0x79: {  	_ =	shalt  }
0x7a: {  	_ =	shalt  }
0x7b: {  	_ =	shalt  }
0x7c: {  	_ =	shalt  }
0x7d: {  	_ =	shalt  }
0x7e: {  	_ =	shalt  }
0x7f: {  	_ =	shalt  }
0x80: {  	_ =	shalt  }
0x81: {  	_ =	shalt  }
0x82: {  	_ =	shalt  }
0x83: {  	_ =	shalt  }
0x84: {  	_ =	shalt  }
0x85: {  	_ =	shalt  }
0x86: {  	_ =	shalt  }
0x87: {  	_ =	shalt  }
.Lfunc_end0:
.L_simem_size_0:
called_computation_lowered:
.L_overlay_start_0:
0x88: {  	s2 =	sld [smem:$0x3FD9]  }
0x89: {  	s3 =	sld [smem:$0x3FFE];
	_ =	sdelay $0x1  }
0x8a: {  	s1 =	srdreg.scid  }
0x8b: {  	s0 =	sand.u32 $0x1, s1  }
0x8c: {  	s16 =	sshll.u32 s0, $0xA;
	s2 =	sadd.s32 s3, s2  }
0x8d: {  	s2 =	sadd.s32 s2, s16  }
0x8e: {  	[smem:$0x3FC6] =	sst s2  }
0x8f: {  	_ = 	snop  }
0x90: {  	(tm) =	ssettm $0x1  }
0x91: {  	s17 =	sld [smem:$0x3FFB];
	_ =	sdelay $0x3  }
0x92: {  	_ =	strace s17  }
0x93: {  	s2 =	sld [smem:$0x3FFC];
	_ =	sdelay $0x3  }
0x94: {  	_ =	strace s2  }
0x95: {  	s2 =	sld [smem:$0x3FFD];
	_ =	sdelay $0x3  }
0x96: {  	_ =	strace s2  }
0x97: {  	_ =	strace $0x8FFFFFFF  }
0x98: {  	s18 =	sld [smem:$0x3FDB];
	_ =	sdelay $0x1  }
0x99: {  	s19 =	simm.s32 $_scs_section_size  }
0x9a: {  	s4 =	simm.s32 $_size__tile_overlayer_lowered;
	s5 =	simm.s32 $_tile_overlayer_lowered  }
0x9b: {  	s22 =	simm.s32 $0x1BFF;
	s21 =	sshll.u32 s5, $0x1;
	s2 =	sadd.s32 s19, s18  }
0x9c: {  	s6 =	simm.s32 $0x0;
	s20 =	sshll.u32 s4, $0x1;
	s4 =	sadd.s32 s21, s2  }
0x9d: {  	[timem:s6], [sflag:s22] =	dma.local [hbm:s4], s20  }
0x9e: {  	_ =	swait.ge [sflag:s22], s20  }
0x9f: {  	s3 =	ssub.s32 $0x0, s20;
	[sflag:s22] =	ssyncset.done $0x0  }
0xa0: {  	[sflag:s22] =	ssyncadd.s32 s3;
	_ =	sdelay $0x1  }
0xa1: {  	s23 =	simm.s32 $0x1B8B  }
0xa2: {  	_ =	swait.ge [sflag:s23], $0x1  }
0xa3: {  	[sflag:s23] =	ssyncset.done $0x0  }
0xa4: {  	s25 =	simm.s32 $0x1B8E;
	s24 =	sld [smem:$0x3FFE];
	[sflag:s23] =	ssyncadd.s32 $0xFFFFFFFF  }
0xa5: {  	s26 =	simm.s32 $execute0_lowered;
	[smem:$0x3FD2] =	sst s25  }
0xa6: {  	s4 =	sshll.u32 s26, $0x1;
	_ =	strace $0x80000046;
	[dreg:$0x1] =	wrdreg $0xFFFFFFFF  }
0xa7: {  	s28 =	simm.s32 $_size_execute0_lowered;
	s2 =	sadd.s32 s2, s4;
	[dreg:$0x0] =	wrdreg $0x0  }
0xa8: {  	s4 =	sshll.u32 s28, $0x1;
	[dreg:$0x2] =	wrdreg s2  }
0xa9: {  	[dreg:$0x3] =	wrdreg s4  }
0xaa: {  	[dreg:$0x4] =	wrdreg $0xC0  }
0xab: {  	_ =	task [dreg:s6], $0x5FFFF  }
0xac: {  	[dreg:$0x1] =	wrdreg $0xFFFFFFFF  }
0xad: {  	[dreg:$0x0] =	wrdreg $0x60  }
0xae: {  	[dreg:$0x2] =	wrdreg s24  }
0xaf: {  	[dreg:$0x3] =	wrdreg $0x9  }
0xb0: {  	_ =	task.clear_ibuf [dreg:s6], $0x4FFFF;
	_ =	strace $0x90000046  }
0xb1: {  	s29 =	simm.s32 $0x9;
	_ =	strace $0x80000048  }
0xb2: {  	_ =	swait.ge [sflag:s29], $0x1  }
0xb3: {  	[sflag:s29] =	ssyncadd.s32 $0xFFFFFFFF  }
0xb4: {  	_ =	strace $0x90000048  }
0xb5: {  	_ =	sfence  }
0xb6: {  	s30 =	sld [smem:$0x0];
	_ =	sdelay $0x2  }
0xb7: {  	s31 =	sshll.u32 s1, $0xD;
	s1 =	sshrl.u32 s1, $0x2  }
0xb8: {  	s3 =	sand.u32 $0x4000, s31;
	s1 =	sadd.s32 s1, s30  }
0xb9: {  	s0 =	sor.u32 s3, s0;
	s1 =	sshll.u32 s1, $0x11  }
0xba: {  	s0 =	sor.u32 s1, s0  }
0xbb: {  	s0 =	sadd.s32 $0x8F2B, s0  }
0xbc: {  	[sflag:s0] =	ssyncadd.remote.s32 $0x1  }
0xbd: {  	_ =	sfence.sel $0xFFFF  }
0xbe: {  	[dreg:$0x0] =	wrdreg $0xFFFFFFFF;
	(pc) =	sbr.abs _section_cstart, $3  }
0xbf: {  	[dreg:$0x1] =	wrdreg $0xFFFFFFFF  }
0xc0: {  	_ =	task.clear_ibuf [dreg:s6], $0x2FFFF;
	_ =	strace $0x9FFFFFFF  }
0xc1: {  	(tm) =	ssettm $0x7FFFFFFF  }
tec
execute0_lowered:
.L_overlay_start_1:
0x0: {  	(tag) =	ssettag $0x1  }
0x1: {  	s0 =	srdreg.scid;
	s6 =	rddreg [dreg:$0x0]  }
0x2: {  	s1 =	stileid.u32;
	s2 =	simm.s32 $0x0;
	s5 =	sand.u32 $0x1, s0  }
0x3: {  	s10 =	simm.s32 $0xC780;
	s0 =	rddreg [dreg:$0x1];
	s3 =	sshll.u32 s5, $0x4  }
0x4: {  	s11 =	simm.s32 $0x0;
	[smem:$0x7FF] =	sst s2;
	s7 =	sor.u32 s1, s3  }
0x5: {  	s4 =	sadd.s32 $0x310800, s6;
	s5 =	ssub.s32 $0x2, s5;
	s3 =	smul.u32 $0x1880, s7  }
0x6: {  	v0 =	vlaneseq.u32;
	_ =	strace $0x80000047;
	s9 =	sshrl.u32 s5, $0x1;
	s7 =	sshll.u32 s7, $0x9  }
0x7: {  	v2 =	vmul.u32 $0x64, v0;
	s31 =	ssub.s32 s5, s9;
	s9 =	simm.s32 $0x1880;
	s8 =	sshrl.u32 s3, $0x3  }
0x8: {  	s8 =	sadd.s32 s8, s6;
	s6 =	sadd.s32 s7, s6;
	s7 =	smax.u32 s31, $0x1  }
0x9: {  	v19 =	vimm.f32 $0.0e+00;
	v0 =	vimm.s32 $0x0;
	[tilespmem:$0x1FFF0] =	vst v2;
	s5 =	sadd.s32 $0x800, s8;
	s6 =	sadd.s32 $0x6A00, s6;
	s8 =	simm.s32 $0x1  }
.LBB2_1:
0xa: {  	v20 =	vimm.f32 $0.0e+00;
	v24 =	vimm.f32 $0.0e+00;
	v25 =	vimm.f32 $0.0e+00  }
0xb: {  	v26 =	vimm.f32 $0.0e+00;
	v30 =	vimm.f32 $0.0e+00;
	v29 =	vimm.f32 $0.0e+00  }
0xc: {  	v62 =	vimm.f32 $0.0e+00;
	v15 =	vimm.f32 $0.0e+00;
	v28 =	vimm.f32 $0.0e+00  }
0xd: {  	v27 =	vimm.f32 $0.0e+00;
	v6 =	vimm.f32 $0.0e+00;
	v21 =	vimm.f32 $0.0e+00  }
0xe: {  	v23 =	vimm.f32 $0.0e+00;
	v8 =	vimm.f32 $0.0e+00;
	v9 =	vimm.f32 $0.0e+00  }
0xf: {  	v10 =	vimm.f32 $0.0e+00;
	v14 =	vimm.f32 $0.0e+00;
	v11 =	vimm.f32 $0.0e+00  }
0x10: {  	[tilespmem:s2], [sflag:$0x1] =	stream.linear.gather [hbm4b:s5+s2], $0x1880, $0x38;
	v33 =	vimm.f32 $0.0e+00;
	v31 =	vimm.f32 $0.0e+00;
	v22 =	vimm.f32 $0.0e+00;
	[tilespmem:$0xD780] =	vst v63  }
0x11: {  	v4 =	vimm.f32 $0.0e+00;
	v5 =	vimm.f32 $0.0e+00;
	v12 =	vimm.f32 $0.0e+00;
	_ =	swait.ge [sflag:s8], $0x1880  }
0x12: {  	v34 =	vimm.f32 $0.0e+00;
	v36 =	vimm.f32 $0.0e+00;
	v35 =	vimm.f32 $0.0e+00;
	[sflag:s8] =	ssyncset.done $0x0  }
0x13: {  	s12 =	simm.s32 $0x0;
	v37 =	vimm.f32 $0.0e+00;
	v38 =	vimm.f32 $0.0e+00;
	v32 =	vimm.f32 $0.0e+00;
	s13 =	simm.s32 $0x0;
	[sflag:s8] =	ssyncadd.s32 $0xFFFFE780  }
.LBB2_2:
0x14: {  	s14 =	smul.u32 $0x1C0, s13  }
0x15: {  	[tilespmem:$0x1FEE0] =	vst v38  }
0x16: {  	[tilespmem:$0x1FEF0] =	vst v33;
	s14 =	sadd.s32 s3, s14  }
0x17: {  	[tilespmem:$0x1FF00] =	vst v37;
	s14 =	smul.u32 $0x64, s14  }
0x18: {  	[tilespmem:$0x1FF10] =	vst v36  }
0x19: {  	[tilespmem:$0x1FF20] =	vst v35;
	s14 =	sshrl.u32 s14, $0x3  }
0x1a: {  	[tilespmem:$0x1FF30] =	vst v34;
	s15 =	simm.s32 $0x0;
	s14 =	sadd.s32 s4, s14  }
0x1b: {  	[tilespmem:s9], [sflag:$0x1] =	stream.linear.gather [hbm4b:s14+s15], $0xAF00, $0x38;
	[tilespmem:$0xD780] =	vst v63  }
0x1c: {  	_ =	swait.ge [sflag:s8], $0xAF00  }
0x1d: {  	[sflag:s8] =	ssyncset.done $0x0  }
0x1e: {  	[sflag:s8] =	ssyncadd.s32 $0xFFFF5100  }
0x1f: {  	v44 =	vld [tilespmem:s12+$0x0];
	_ =	sdelay $0x4  }
0x20: {  	v45 =	vmov s15;
	v33 =	vadd.s32 $0xFFFFFFFF, v44  }
0x21: {  	v34 =	vmul.u32 $0x64, v45;
	vm0 =	vgt.s32 v33, $0x0  }
0x22: {  	v46 =	vnsel vm0, $0x0, v33  }
0x23: {  	v34 =	vbroadcast v34, $0x0;
	v35 =	vmul.u32 $0x5, v46;
	_ =	sdelay $0x1  }
0x24: {  	v34 =	vadd.s32 v35, v34  }
0x25: {  	v34 =	vadd.s32 v2, v34  }
0x26: {  	v47 =	vadd.s32 $0x1, v34  }
0x27: {  	v48 =	vadd.s32 $0x32, v34  }
0x28: {  	v49 =	vadd.s32 $0x33, v34  }
0x29: {  	v50 =	vadd.s32 $0x34, v34  }
0x2a: {  	v40 =	vadd.s32 $0x35, v34;
	v39 =	vld.idx.msk [tilespmem:v34+s9+$0x0], $0xffff  }
0x2b: {  	v41 =	vadd.s32 $0x36, v34;
	v35 =	vld.idx.msk [tilespmem:v47+s9+$0x0], $0xffff  }
0x2c: {  	v42 =	vadd.s32 $0x2, v34;
	v36 =	vld.idx.msk [tilespmem:v48+s9+$0x0], $0xffff  }
0x2d: {  	v43 =	vadd.s32 $0x3, v34;
	v37 =	vld.idx.msk [tilespmem:v49+s9+$0x0], $0xffff  }
0x2e: {  	v34 =	vadd.s32 $0x4, v34;
	v38 =	vld.idx.msk [tilespmem:v50+s9+$0x0], $0xffff  }
0x2f: {  	v40 =	vld.idx.msk [tilespmem:v40+s9+$0x0], $0xffff  }
0x30: {  	v41 =	vld.idx.msk [tilespmem:v41+s9+$0x0], $0xffff  }
0x31: {  	v42 =	vld.idx.msk [tilespmem:v42+s9+$0x0], $0xffff  }
0x32: {  	v47 =	vld.idx.msk [tilespmem:v43+s9+$0x0], $0xffff  }
0x33: {  	v34 =	vld.idx.msk [tilespmem:v34+s9+$0x0], $0xffff;
	v51 =	vmax.f32 v36, v37  }
0x34: {  	v43 =	vmax.f32 v51, v38  }
0x35: {  	v44 =	vmax.f32 v39, v35;
	v43 =	vmax.f32 v43, v40  }
0x36: {  	v44 =	vmax.f32 v44, v42;
	v43 =	vmax.f32 v43, v41  }
0x37: {  	v52 =	vmax.f32 v44, v47;
	v55 =	vsub.f32 v36, v43  }
0x38: {  	v36 =	vmax.f32 v52, v34;
	v45 =	vsub.f32 v37, v43  }
0x39: {  	v39 =	vsub.f32 v39, v36;
	v53 =	vmul.f32 $1.442695020e+00, v55  }
0x3a: {  	v44 =	vsub.f32 v38, v43;
	v48 =	vmul.f32 $1.442695020e+00, v45  }
0x3b: {  	v35 =	vsub.f32 v35, v36;
	v54 =	vmul.f32 $1.442695020e+00, v39;
	(erf) = vpow2.f32 v53  }
0x3c: {  	v46 =	vsub.f32 v40, v43;
	v38 =	vmul.f32 $1.442695020e+00, v44;
	(erf) = vpow2.f32 v48  }
0x3d: {  	v42 =	vsub.f32 v42, v36;
	v56 =	vmul.f32 $1.442695020e+00, v35;
	(erf) = vpow2.f32 v54  }
0x3e: {  	v43 =	vsub.f32 v41, v43;
	v57 =	vmul.f32 $1.442695020e+00, v46;
	(erf) = vpow2.f32 v38  }
0x3f: {  	v47 =	vsub.f32 v47, v36;
	v58 =	vmul.f32 $1.442695020e+00, v42;
	(erf) = vpow2.f32 v56  }
0x40: {  	v59 =	vmul.f32 $1.442695020e+00, v43;
	(erf) = vpow2.f32 v57  }
0x41: {  	v34 =	vsub.f32 v34, v36;
	v60 =	vmul.f32 $1.442695020e+00, v47;
	(erf) = vpow2.f32 v58  }
0x42: {  	(erf) = vpow2.f32 v59  }
0x43: {  	v36 =	vmul.f32 $1.442695020e+00, v34;
	(erf) = vpow2.f32 v60  }
0x44: {  	v59 =	vpop (erf)  }
0x45: {  	(erf) = vpow2.f32 v36;
	v61 =	vadd.f32 $0.0e+00, v59;
	v52 =	vpop (erf)  }
0x46: {  	v63 =	vpop (erf)  }
0x47: {  	v37 =	vadd.f32 v61, v52;
	v7 =	vadd.f32 $0.0e+00, v63;
	v51 =	vpop (erf)  }
0x48: {  	v13 =	vpop (erf)  }
0x49: {  	v37 =	vadd.f32 v37, v51;
	v38 =	vadd.f32 v7, v13;
	v54 =	vpop (erf)  }
0x4a: {  	v41 =	vpop (erf)  }
0x4b: {  	v37 =	vadd.f32 v37, v54;
	v38 =	vadd.f32 v38, v41;
	v50 =	vpop (erf)  }
0x4c: {  	v48 =	vpop (erf)  }
0x4d: {  	v53 =	vadd.f32 v37, v50;
	v60 =	vadd.f32 v38, v48  }
0x4e: {  	v49 =	vpop (erf)  }
0x4f: {  	vm1 =	veq.s32 v33, $0x0;
	v61 =	vand.u32 $0x7FFFFF, v53;
	v56 =	vadd.f32 v60, v49  }
0x50: {  	vm2 =	veq.s32 v33, $0x1;
	v36 =	vmul.f32 v63, v39;
	v63 =	vor.u32 $0x3F800000, v61  }
0x51: {  	v1 =	vsel vm1, $0x3F800000, v19;
	v38 =	vmul.f32 $5.000000000e-01, v63;
	v7 =	vand.u32 $0x7FFFFF, v56  }
0x52: {  	v3 =	vsel vm2, $0x3F800000, v19;
	vm0 =	vgt.f32 v63, $1.414213540e+00;
	v39 =	vor.u32 $0x3F800000, v7  }
0x53: {  	v35 =	vmul.f32 v13, v35;
	v57 =	vsel vm0, v38, v63;
	v13 =	vmul.f32 $5.000000000e-01, v39  }
0x54: {  	v36 =	vadd.f32 $0.0e+00, v36;
	vm6 =	vgt.f32 v39, $1.414213540e+00;
	v40 =	vadd.f32 $1.000000000e+00, v57  }
0x55: {  	v63 =	vsel vm6, $0x1, v0;
	v0 =	vadd.f32 v1, v27;
	v58 =	vsel vm6, v13, v39  }
0x56: {  	v41 =	vmul.f32 v41, v42;
	(erf) = vrcp.f32 v56;
	v42 =	vadd.f32 $1.000000000e+00, v58  }
0x57: {  	vm3 =	veq.s32 v33, $0x2;
	(erf) = vrcp.f32 v40;
	[tilespmem:$0x1FF50] =	vst v0;
	v0 =	vadd.f32 v3, v28  }
0x58: {  	v35 =	vadd.f32 v36, v35;
	(erf) = vrcp.f32 v42;
	v42 =	vsel vm3, $0x3F800000, v19  }
0x59: {  	vm4 =	veq.s32 v33, $0x3;
	vm5 =	veq.s32 v33, $0x4;
	[tilespmem:$0x1FF70] =	vst v0;
	v0 =	vadd.f32 v42, v15  }
0x5a: {  	vm7 =	veq.s32 v33, $0x5;
	v60 =	vadd.f32 v35, v41;
	v41 =	vsel vm4, $0x3F800000, v19  }
0x5b: {  	vm8 =	veq.s32 v33, $0x6;
	vm1 =	veq.s32 v33, $0x7;
	[tilespmem:$0x1FF80] =	vst v0;
	v0 =	vadd.f32 v41, v62  }
0x5c: {  	vm2 =	veq.s32 v33, $0x8;
	v55 =	vmul.f32 v59, v55;
	v40 =	vsel vm5, $0x3F800000, v19  }
0x5d: {  	v36 =	vsel vm8, $0x3F800000, v19;
	v47 =	vmul.f32 v48, v47;
	[tilespmem:$0x1FF90] =	vst v0;
	v0 =	vadd.f32 v40, v29  }
0x5e: {  	s14 =	sadd.s32 $0x10, s12;
	v35 =	vsel vm1, $0x3F800000, v19;
	v61 =	vshrl.u32 v56, $0x17;
	v39 =	vsel vm7, $0x3F800000, v19  }
0x5f: {  	v49 =	vmul.f32 v49, v34;
	v48 =	vadd.s32 v63, v61;
	v63 =	vld [tilespmem:s14+$0x0];
	[tilespmem:$0x1FFA0] =	vst v0;
	v0 =	vadd.f32 v39, v30  }
0x60: {  	v34 =	vsel vm2, $0x3F800000, v19;
	v47 =	vadd.f32 v60, v47;
	v7 =	vadd.s32 $0xFFFFFF81, v48  }
0x61: {  	v57 =	vadd.f32 $-1.000000000e+00, v57;
	v48 =	vcvt.s32.f32 v7;
	v13 =	vpop (erf);
	[tilespmem:$0x1FFB0] =	vst v0;
	v0 =	vadd.f32 v36, v26  }
0x62: {  	v47 =	vadd.f32 v47, v49;
	v27 =	vmov v11;
	v61 =	vadd.f32 $-1.000000000e+00, v58;
	v37 =	vpop (erf)  }
0x63: {  	s31 =	simm.s32 $0x10;
	v28 =	vmovc v14;
	v49 =	vmul.f32 $6.931471820e-01, v48;
	v58 =	vmul.f32 v37, v57;
	[tilespmem:$0x1FFC0] =	vst v0;
	v0 =	vadd.f32 v35, v25  }
0x64: {  	[tilespmem:$0x1FF40] =	vst v1;
	v48 =	vmul.f32 v13, v47;
	v62 =	vmov s31;
	v47 =	vadd.s32 $0xFFFFFFFF, v63;
	v38 =	vpop (erf)  }
0x65: {  	v60 =	vmul.f32 v58, v58;
	v57 =	vmul.f32 v38, v61;
	[tilespmem:$0x1FFD0] =	vst v0;
	v0 =	vadd.f32 v34, v24  }
0x66: {  	[tilespmem:$0x1FF60] =	vst v3;
	v62 =	vmul.u32 $0x64, v62;
	v29 =	vmovc v12;
	v30 =	vmovc v6;
	v37 =	vmov v9;
	v26 =	vmov v5  }
0x67: {  	s15 =	simm.s32 $0x20;
	v38 =	vmovc v10;
	v25 =	vmovc v8;
	v61 =	vmul.f32 $1.428571490e-01, v60;
	v56 =	vmul.f32 v57, v57;
	v24 =	vmov v4;
	[tilespmem:$0x1FFE0] =	vst v0  }
.LBB2_3:
0x68: {  	vm1 =	vgt.s32 v47, $0x0;
	v45 =	vmul.f32 v52, v45  }
0x69: {  	(erf) = vrcp.f32 v53;
	v44 =	vmul.f32 v51, v44;
	v61 =	vadd.f32 $2.000000030e-01, v61  }
0x6a: {  	v46 =	vmul.f32 v54, v46;
	v4 =	vshrl.u32 v53, $0x17;
	v55 =	vadd.f32 $0.0e+00, v55  }
0x6b: {  	v0 =	vimm.s32 $0x0;
	v13 =	vnsel vm1, $0x0, v47;
	v61 =	vmul.f32 v61, v60  }
0x6c: {  	v59 =	vbroadcast v62, $0x0;
	v14 =	vmul.u32 $0x5, v13;
	v45 =	vadd.f32 v55, v45  }
0x6d: {  	v43 =	vmul.f32 v50, v43;
	v7 =	vadd.f32 v58, v58;
	v63 =	vadd.f32 $3.333333430e-01, v61  }
0x6e: {  	v5 =	vsel vm0, $0x1, v0;
	v59 =	vadd.s32 v14, v59;
	v44 =	vadd.f32 v45, v44  }
0x6f: {  	v51 =	vadd.s32 v2, v59;
	v45 =	vadd.s32 v5, v4;
	v52 =	vmul.f32 v63, v60  }
0x70: {  	v45 =	vadd.s32 $0xFFFFFF81, v45;
	v8 =	vadd.s32 $0x1, v51;
	v9 =	vadd.s32 $0x32, v51  }
0x71: {  	v44 =	vadd.f32 v44, v46;
	v45 =	vcvt.s32.f32 v45;
	v6 =	vadd.f32 $1.000000000e+00, v52  }
0x72: {  	v15 =	vmul.f32 $1.428571490e-01, v56;
	v10 =	vadd.s32 $0x33, v51;
	v13 =	vadd.s32 $0x35, v51  }
0x73: {  	v43 =	vadd.f32 v44, v43;
	v4 =	vmul.f32 $6.931471820e-01, v45;
	v5 =	vmul.f32 v6, v7  }
0x74: {  	v14 =	vadd.f32 $2.000000030e-01, v15;
	v53 =	vadd.s32 $0x2, v51;
	v12 =	vadd.s32 $0x34, v51;
	v11 =	vpop (erf);
	v46 =	vld.idx.msk [tilespmem:v51+s9+$0x0], $0xffff  }
0x75: {  	v6 =	vadd.s32 $0x3, v51;
	v43 =	vmul.f32 v11, v43;
	v52 =	vld.idx.msk [tilespmem:v8+s9+$0x0], $0xffff;
	v44 =	vadd.f32 v5, v4  }
0x76: {  	v7 =	vadd.s32 $0x4, v51;
	v51 =	vadd.s32 $0x36, v51;
	v8 =	vld.idx.msk [tilespmem:v9+s9+$0x0], $0xffff;
	v9 =	vmul.f32 v14, v56  }
0x77: {  	v10 =	vld.idx.msk [tilespmem:v10+s9+$0x0], $0xffff;
	v43 =	vsub.f32 v44, v43  }
0x78: {  	v0 =	vld.idx.msk [tilespmem:v13+s9+$0x0], $0xffff;
	v54 =	vadd.f32 $3.333333430e-01, v9  }
0x79: {  	v15 =	vadd.f32 v57, v57;
	v57 =	vmul.f32 $6.213349100e-01, v43;
	v43 =	vld.idx.msk [tilespmem:v12+s9+$0x0], $0xffff  }
0x7a: {  	v53 =	vld.idx.msk [tilespmem:v53+s9+$0x0], $0xffff;
	v54 =	vmul.f32 v54, v56  }
0x7b: {  	v51 =	vld.idx.msk [tilespmem:v51+s9+$0x0], $0xffff  }
0x7c: {  	vm2 =	veq.s32 v47, $0x2;
	vm3 =	veq.s32 v47, $0x3;
	v50 =	vld.idx.msk [tilespmem:v6+s9+$0x0], $0xffff;
	v12 =	vadd.f32 $1.000000000e+00, v54  }
0x7d: {  	vm4 =	veq.s32 v33, $0x9;
	vm0 =	veq.s32 v47, $0x0;
	v13 =	vmax.f32 v8, v10;
	v54 =	vld.idx.msk [tilespmem:v7+s9+$0x0], $0xffff  }
0x7e: {  	vm1 =	veq.s32 v47, $0x1;
	v45 =	vmul.f32 v12, v15;
	v55 =	vmax.f32 v13, v43  }
0x7f: {  	v33 =	vmovc v47;
	v47 =	vsel vm4, $0x3F800000, v19;
	v2 =	vmax.f32 v46, v52;
	v55 =	vmax.f32 v55, v0  }
0x80: {  	v2 =	vmax.f32 v2, v53;
	v45 =	vadd.f32 v45, v49;
	v5 =	vmax.f32 v55, v51  }
0x81: {  	v11 =	vmul.f32 v57, v47;
	v2 =	vmax.f32 v2, v50;
	v55 =	vsub.f32 v8, v5  }
0x82: {  	v2 =	vmax.f32 v2, v54;
	v44 =	vsub.f32 v45, v48;
	v45 =	vsub.f32 v10, v5  }
0x83: {  	v7 =	vsub.f32 v46, v2;
	v8 =	vsub.f32 v52, v2;
	v6 =	vmul.f32 $1.442695020e+00, v55  }
0x84: {  	v9 =	vmul.f32 $6.213349100e-01, v44;
	v44 =	vsub.f32 v43, v5;
	v52 =	vmul.f32 $1.442695020e+00, v45  }
0x85: {  	v30 =	vadd.f32 v11, v30;
	v14 =	vmul.f32 $1.442695020e+00, v7;
	(erf) = vpow2.f32 v6  }
0x86: {  	v46 =	vsub.f32 v0, v5;
	v10 =	vmul.f32 $1.442695020e+00, v44;
	(erf) = vpow2.f32 v52  }
0x87: {  	v53 =	vsub.f32 v53, v2;
	v15 =	vmul.f32 $1.442695020e+00, v8;
	(erf) = vpow2.f32 v14  }
0x88: {  	v11 =	vsub.f32 v50, v2;
	v50 =	vmul.f32 $1.442695020e+00, v46;
	(erf) = vpow2.f32 v10  }
0x89: {  	v13 =	vld [tilespmem:$0x1FF60];
	v0 =	vmul.f32 $1.442695020e+00, v53;
	(erf) = vpow2.f32 v15  }
0x8a: {  	(erf) = vpow2.f32 v50  }
0x8b: {  	(erf) = vpow2.f32 v0;
	v0 =	vld [tilespmem:$0x1FEF0];
	_ =	sdelay $0x2  }
0x8c: {  	v12 =	vld [tilespmem:$0x1FF40];
	v48 =	vmul.f32 v57, v13;
	_ =	sdelay $0x1  }
0x8d: {  	v0 =	vadd.f32 v48, v0  }
0x8e: {  	v43 =	vsub.f32 v51, v5  }
0x8f: {  	v52 =	vmul.f32 $1.442695020e+00, v11;
	[tilespmem:$0x1FEF0] =	vst v0;
	v0 =	vld [tilespmem:$0x1FF50]  }
0x90: {  	v49 =	vmul.f32 v57, v12;
	v14 =	vmul.f32 $1.442695020e+00, v43;
	_ =	sdelay $0x1  }
0x91: {  	v3 =	vsel vm1, $0x3F800000, v19;
	(erf) = vpow2.f32 v14  }
0x92: {  	v1 =	vsel vm0, $0x3F800000, v19;
	v2 =	vsub.f32 v54, v2;
	(erf) = vpow2.f32 v52;
	v52 =	vmovc v3  }
0x93: {  	v31 =	vadd.f32 v49, v31;
	v49 =	vmov v1;
	v0 =	vadd.f32 v1, v0;
	v1 =	vld [tilespmem:$0x1FF70]  }
0x94: {  	vm5 =	veq.s32 v33, $0x4;
	vm15 =	veq.s32 v33, $0x5;
	v15 =	vmul.f32 $1.442695020e+00, v2;
	v59 =	vpop (erf)  }
0x95: {  	v58 =	vsel vm2, $0x3F800000, v19;
	v63 =	vsel vm15, $0x3F800000, v19;
	[tilespmem:$0x1FF60] =	vst v52;
	v50 =	vadd.f32 $0.0e+00, v59;
	v52 =	vpop (erf)  }
0x96: {  	v4 =	vsel vm3, $0x3F800000, v19;
	v16 =	vmul.f32 v57, v36;
	(erf) = vpow2.f32 v15;
	v54 =	vpop (erf)  }
0x97: {  	v48 =	vmul.f32 v57, v41;
	v5 =	vadd.f32 v50, v52;
	v7 =	vmul.f32 v54, v7  }
0x98: {  	v51 =	vpop (erf);
	v1 =	vadd.f32 v3, v1;
	v3 =	vmul.f32 v9, v41;
	v41 =	vadd.f32 $0.0e+00, v54  }
0x99: {  	v18 =	vmul.f32 v57, v35;
	v5 =	vadd.f32 v5, v51;
	[tilespmem:$0x1FF50] =	vst v0;
	v0 =	vmul.f32 v9, v12;
	v54 =	vpop (erf)  }
0x9a: {  	[tilespmem:$0x1FF40] =	vst v49;
	v7 =	vadd.f32 $0.0e+00, v7;
	v8 =	vmul.f32 v54, v8;
	v49 =	vadd.f32 v41, v54;
	v54 =	vpop (erf)  }
0x9b: {  	v6 =	vmul.f32 v9, v42;
	v32 =	vadd.f32 v0, v32;
	v17 =	vadd.f32 v5, v54;
	v50 =	vpop (erf)  }
0x9c: {  	v0 =	vmul.f32 v57, v42;
	v41 =	vadd.f32 v49, v50;
	v42 =	vmul.f32 v50, v53;
	v50 =	vpop (erf)  }
0x9d: {  	v14 =	vmul.f32 v57, v39;
	v7 =	vadd.f32 v7, v8;
	v53 =	vadd.f32 v17, v50  }
0x9e: {  	v15 =	vmul.f32 v9, v36;
	v27 =	vadd.f32 v0, v27;
	[tilespmem:$0x1FF70] =	vst v1;
	v1 =	vmul.f32 v9, v13  }
0x9f: {  	v13 =	vmul.f32 v9, v39;
	v49 =	vpop (erf);
	v7 =	vadd.f32 v7, v42;
	v36 =	vand.u32 $0x7FFFFF, v53  }
0xa0: {  	v8 =	vadd.f32 v41, v49;
	v5 =	vmul.f32 v49, v11;
	v42 =	vmovc v58;
	v58 =	vor.u32 $0x3F800000, v36  }
0xa1: {  	v0 =	vld [tilespmem:$0x1FF20];
	v39 =	vmov v63;
	v17 =	vmul.f32 v9, v35;
	v35 =	vpop (erf);
	v63 =	vmul.f32 $5.000000000e-01, v58  }
0xa2: {  	v41 =	vmovc v4;
	v4 =	vadd.f32 v7, v5;
	v5 =	vadd.f32 v8, v35;
	vm0 =	vgt.f32 v58, $1.414213540e+00  }
0xa3: {  	v60 =	vsel vm5, $0x3F800000, v19;
	v10 =	vmul.f32 v57, v40;
	v7 =	vsel vm0, v63, v58  }
0xa4: {  	v12 =	vmul.f32 v9, v40;
	v40 =	vmovc v60;
	(erf) = vrcp.f32 v5;
	v60 =	vadd.f32 $1.000000000e+00, v7;
	_ =	sdelay $0x1  }
0xa5: {  	v0 =	vadd.f32 v3, v0;
	v49 =	vld [tilespmem:$0x1FEE0];
	(erf) = vrcp.f32 v60;
	_ =	sdelay $0x1  }
0xa6: {  	[tilespmem:$0x1FF20] =	vst v0;
	v0 =	vld [tilespmem:$0x1FF10]  }
0xa7: {  	v2 =	vmul.f32 v35, v2;
	_ =	sdelay $0x1  }
0xa8: {  	v2 =	vadd.f32 v4, v2;
	v11 =	vadd.f32 v1, v49  }
0xa9: {  	vm7 =	veq.s32 v33, $0x7;
	v1 =	vmul.f32 v57, v34;
	v57 =	vand.u32 $0x7FFFFF, v5  }
0xaa: {  	v28 =	vadd.f32 v48, v28;
	v3 =	vadd.f32 v12, v0;
	[tilespmem:$0x1FEE0] =	vst v11;
	v11 =	vor.u32 $0x3F800000, v57;
	v0 =	vpop (erf)  }
0xab: {  	v58 =	vmul.f32 $5.000000000e-01, v11;
	v48 =	vmul.f32 v0, v2;
	v0 =	vadd.f32 $-1.000000000e+00, v7  }
0xac: {  	v62 =	vsel vm7, $0x3F800000, v19;
	vm1 =	vgt.f32 v11, $1.414213540e+00;
	v2 =	vpop (erf)  }
0xad: {  	v35 =	vmov v62;
	v62 =	vsel vm1, v58, v11;
	v58 =	vmul.f32 v2, v0;
	v0 =	vld [tilespmem:$0x1FF80];
	_ =	sdelay $0x4  }
0xae: {  	v0 =	vadd.f32 v42, v0;
	_ =	sdelay $0x1  }
0xaf: {  	[tilespmem:$0x1FF80] =	vst v0;
	v0 =	vld [tilespmem:$0x1FF90];
	_ =	sdelay $0x4  }
0xb0: {  	v0 =	vadd.f32 v41, v0;
	_ =	sdelay $0x1  }
0xb1: {  	[tilespmem:$0x1FF90] =	vst v0;
	v0 =	vld [tilespmem:$0x1FFA0];
	_ =	sdelay $0x4  }
0xb2: {  	v0 =	vadd.f32 v40, v0;
	_ =	sdelay $0x1  }
0xb3: {  	[tilespmem:$0x1FFA0] =	vst v0;
	v0 =	vld [tilespmem:$0x1FFB0];
	_ =	sdelay $0x3  }
0xb4: {  	vm6 =	veq.s32 v33, $0x6  }
0xb5: {  	v61 =	vsel vm6, $0x3F800000, v19;
	v0 =	vadd.f32 v39, v0  }
0xb6: {  	v36 =	vmov v61;
	v61 =	vimm.s32 $0x0  }
0xb7: {  	v5 =	vshrl.u32 v5, $0x17;
	v4 =	vsel vm1, $0x1, v61;
	[tilespmem:$0x1FFB0] =	vst v0;
	v0 =	vld [tilespmem:$0x1FFC0]  }
0xb8: {  	v4 =	vadd.s32 v4, v5;
	v5 =	vadd.f32 $1.000000000e+00, v62;
	_ =	sdelay $0x1  }
0xb9: {  	(erf) = vrcp.f32 v5;
	_ =	sdelay $0x1  }
0xba: {  	v0 =	vadd.f32 v36, v0;
	_ =	sdelay $0x1  }
0xbb: {  	[tilespmem:$0x1FFC0] =	vst v0;
	v0 =	vld [tilespmem:$0x1FFD0];
	_ =	sdelay $0x2  }
0xbc: {  	vm8 =	veq.s32 v33, $0x8;
	v20 =	vadd.f32 v47, v20;
	v63 =	vld [tilespmem:$0x1FF00]  }
0xbd: {  	v56 =	vsel vm8, $0x3F800000, v19;
	v19 =	vmul.f32 v9, v34;
	[tilespmem:$0x1FF10] =	vst v3;
	v3 =	vld [tilespmem:$0x1FF30];
	v8 =	vadd.f32 $-1.000000000e+00, v62  }
0xbe: {  	v25 =	vadd.f32 v16, v25;
	v2 =	vadd.f32 v35, v0;
	v0 =	vpop (erf)  }
0xbf: {  	s14 =	sadd.s32 $0x10, s14;
	v23 =	vadd.f32 v18, v23;
	v24 =	vadd.f32 v19, v24;
	v57 =	vmul.f32 v0, v8;
	v0 =	vld [tilespmem:$0x1FFE0]  }
0xc0: {  	v19 =	vimm.f32 $0.0e+00;
	v38 =	vadd.f32 v10, v38;
	v21 =	vadd.f32 v1, v21;
	v1 =	vld [tilespmem:s14+$0x0]  }
0xc1: {  	p0 =	sne.s32 s15, $0x1B0;
	v37 =	vadd.f32 v14, v37;
	v55 =	vmul.f32 v59, v55;
	v11 =	vadd.f32 v6, v63  }
.Ltmp0:
0xc2: {  	v9 =	vmul.f32 v9, v47;
	v4 =	vadd.s32 $0xFFFFFF81, v4;
	v3 =	vadd.f32 v13, v3;
	(pc) =	sbr.rel @p0 .LBB2_3-.Ltmp0, $4  }
0xc3: {  	v29 =	vadd.f32 v15, v29;
	v26 =	vadd.f32 v17, v26;
	v34 =	vmovc v56;
	v4 =	vcvt.s32.f32 v4;
	[tilespmem:$0x1FF00] =	vst v11  }
0xc4: {  	v22 =	vadd.f32 v9, v22;
	[tilespmem:$0x1FF30] =	vst v3;
	v60 =	vmul.f32 v58, v58;
	v0 =	vadd.f32 v34, v0  }
0xc5: {  	v47 =	vadd.s32 $0xFFFFFFFF, v1;
	v49 =	vmul.f32 $6.931471820e-01, v4;
	[tilespmem:$0x1FFD0] =	vst v2;
	v2 =	vmov s15  }
0xc6: {  	v61 =	vmul.f32 $1.428571490e-01, v60;
	s15 =	sadd.s32 $0x10, s15;
	v62 =	vmul.u32 $0x64, v2;
	v2 =	vld [tilespmem:$0x1FFF0];
	v56 =	vmul.f32 v57, v57;
	[tilespmem:$0x1FFE0] =	vst v0  }
0xc7: {  	vm1 =	vgt.s32 v47, $0x0  }
0xc8: {  	v0 =	vnsel vm1, $0x0, v47  }
0xc9: {  	v1 =	vbroadcast v62, $0x0;
	v0 =	vmul.u32 $0x5, v0;
	_ =	sdelay $0x1  }
0xca: {  	v0 =	vadd.s32 v0, v1  }
0xcb: {  	v0 =	vadd.s32 v2, v0  }
0xcc: {  	v1 =	vadd.s32 $0x1, v0  }
0xcd: {  	v2 =	vadd.s32 $0x32, v0  }
0xce: {  	v3 =	vadd.s32 $0x33, v0  }
0xcf: {  	v4 =	vadd.s32 $0x34, v0  }
0xd0: {  	v5 =	vadd.s32 $0x35, v0;
	v8 =	vld.idx.msk [tilespmem:v0+s9+$0x0], $0xffff  }
0xd1: {  	v6 =	vadd.s32 $0x36, v0;
	v1 =	vld.idx.msk [tilespmem:v1+s9+$0x0], $0xffff  }
0xd2: {  	v7 =	vadd.s32 $0x2, v0;
	v2 =	vld.idx.msk [tilespmem:v2+s9+$0x0], $0xffff  }
0xd3: {  	v9 =	vadd.s32 $0x3, v0;
	v3 =	vld.idx.msk [tilespmem:v3+s9+$0x0], $0xffff  }
0xd4: {  	v0 =	vadd.s32 $0x4, v0;
	v4 =	vld.idx.msk [tilespmem:v4+s9+$0x0], $0xffff  }
0xd5: {  	v5 =	vld.idx.msk [tilespmem:v5+s9+$0x0], $0xffff  }
0xd6: {  	v10 =	vmul.f32 v52, v45;
	v12 =	vadd.f32 $0.0e+00, v55;
	v6 =	vld.idx.msk [tilespmem:v6+s9+$0x0], $0xffff  }
0xd7: {  	v11 =	vadd.f32 $2.000000030e-01, v61;
	v7 =	vld.idx.msk [tilespmem:v7+s9+$0x0], $0xffff  }
0xd8: {  	v13 =	vmul.f32 v51, v44;
	v10 =	vadd.f32 v12, v10;
	v9 =	vld.idx.msk [tilespmem:v9+s9+$0x0], $0xffff;
	v12 =	vmax.f32 v2, v3  }
0xd9: {  	v14 =	vmul.f32 v54, v46;
	v11 =	vmul.f32 v11, v60;
	v0 =	vld.idx.msk [tilespmem:v0+s9+$0x0], $0xffff;
	v12 =	vmax.f32 v12, v4  }
0xda: {  	(erf) = vrcp.f32 v53;
	v55 =	vimm.s32 $0x0;
	v12 =	vmax.f32 v12, v5  }
0xdb: {  	v11 =	vadd.f32 $3.333333430e-01, v11;
	v15 =	vmax.f32 v8, v1;
	v12 =	vmax.f32 v12, v6  }
0xdc: {  	v10 =	vadd.f32 v10, v13;
	v13 =	vmax.f32 v15, v7;
	v45 =	vsub.f32 v2, v12  }
0xdd: {  	v11 =	vmul.f32 v11, v60;
	v2 =	vmax.f32 v13, v9;
	v46 =	vsub.f32 v3, v12  }
0xde: {  	v3 =	vshrl.u32 v53, $0x17;
	v2 =	vmax.f32 v2, v0;
	v13 =	vmul.f32 $1.442695020e+00, v45  }
0xdf: {  	v44 =	vsub.f32 v4, v12;
	v4 =	vsel vm0, $0x1, v55;
	v8 =	vsub.f32 v8, v2  }
0xe0: {  	v3 =	vadd.s32 v4, v3;
	v15 =	vmul.f32 $1.442695020e+00, v46;
	(erf) = vpow2.f32 v13  }
0xe1: {  	v1 =	vsub.f32 v1, v2;
	v4 =	vmul.f32 $1.442695020e+00, v8;
	v13 =	vmul.f32 $1.442695020e+00, v44  }
0xe2: {  	(erf) = vpow2.f32 v15;
	v15 =	vmul.f32 v50, v43;
	v50 =	vsub.f32 v5, v12  }
0xe3: {  	v5 =	vsub.f32 v7, v2;
	(erf) = vpow2.f32 v4;
	v4 =	vmul.f32 $1.442695020e+00, v1  }
0xe4: {  	(erf) = vpow2.f32 v13;
	v7 =	vmul.f32 $1.442695020e+00, v50  }
0xe5: {  	v10 =	vadd.f32 v10, v14;
	(erf) = vpow2.f32 v4;
	v4 =	vmul.f32 $1.442695020e+00, v5  }
0xe6: {  	v3 =	vadd.s32 $0xFFFFFF81, v3;
	v43 =	vsub.f32 v6, v12;
	(erf) = vpow2.f32 v7  }
0xe7: {  	(erf) = vpow2.f32 v4;
	v4 =	vadd.f32 $1.000000000e+00, v11;
	v11 =	vadd.f32 v58, v58  }
0xe8: {  	v9 =	vsub.f32 v9, v2;
	v3 =	vcvt.s32.f32 v3;
	v12 =	vpop (erf);
	v7 =	vmul.f32 $1.442695020e+00, v43  }
0xe9: {  	v0 =	vsub.f32 v0, v2;
	v6 =	vmul.f32 $1.428571490e-01, v56;
	v4 =	vmul.f32 v4, v11;
	v2 =	vpop (erf)  }
0xea: {  	(erf) = vpow2.f32 v7;
	v7 =	vmul.f32 $1.442695020e+00, v9;
	v11 =	vadd.f32 $0.0e+00, v2  }
0xeb: {  	v3 =	vmul.f32 $6.931471820e-01, v3;
	v6 =	vadd.f32 $2.000000030e-01, v6;
	v10 =	vadd.f32 v10, v15;
	v13 =	vpop (erf)  }
0xec: {  	(erf) = vpow2.f32 v7;
	v7 =	vmul.f32 $1.442695020e+00, v0;
	v14 =	vpop (erf);
	v11 =	vadd.f32 v11, v13  }
0xed: {  	v6 =	vmul.f32 v6, v56;
	v3 =	vadd.f32 v4, v3;
	v4 =	vpop (erf)  }
0xee: {  	(erf) = vpow2.f32 v7;
	v7 =	vmul.f32 v12, v10;
	v10 =	vadd.f32 v11, v4  }
0xef: {  	v6 =	vadd.f32 $3.333333430e-01, v6  }
0xf0: {  	v12 =	vadd.f32 $0.0e+00, v14;
	v11 =	vpop (erf)  }
0xf1: {  	v6 =	vmul.f32 v6, v56;
	v3 =	vsub.f32 v3, v7;
	v16 =	vpop (erf)  }
0xf2: {  	v12 =	vadd.f32 v12, v11;
	v7 =	vadd.f32 v10, v16;
	v10 =	vpop (erf)  }
0xf3: {  	v15 =	vadd.f32 v57, v57;
	v6 =	vadd.f32 $1.000000000e+00, v6;
	v17 =	vpop (erf)  }
0xf4: {  	v12 =	vadd.f32 v12, v10;
	v7 =	vadd.f32 v7, v17  }
0xf5: {  	vm11 =	veq.s32 v33, $0x9;
	v8 =	vmul.f32 v14, v8;
	v6 =	vmul.f32 v6, v15;
	v18 =	vpop (erf)  }
0xf6: {  	v33 =	vsel vm11, $0x3F800000, v19;
	v12 =	vadd.f32 v12, v18;
	v15 =	vand.u32 $0x7FFFFF, v7  }
0xf7: {  	v8 =	vadd.f32 $0.0e+00, v8;
	v6 =	vadd.f32 v6, v49;
	v62 =	vpop (erf);
	v19 =	vor.u32 $0x3F800000, v15  }
0xf8: {  	v3 =	vmul.f32 $6.213349100e-01, v3;
	v12 =	vadd.f32 v12, v62;
	v63 =	vmul.f32 $5.000000000e-01, v19  }
0xf9: {  	v6 =	vsub.f32 v6, v48;
	v1 =	vmul.f32 v11, v1;
	vm12 =	vgt.f32 v19, $1.414213540e+00  }
0xfa: {  	v5 =	vmul.f32 v10, v5;
	v14 =	vand.u32 $0x7FFFFF, v12;
	v19 =	vsel vm12, v63, v19  }
0xfb: {  	v60 =	vld [tilespmem:$0x1FF40];
	v15 =	vmul.f32 v3, v33;
	v11 =	vor.u32 $0x3F800000, v14;
	v56 =	vadd.f32 $1.000000000e+00, v19  }
0xfc: {  	v1 =	vadd.f32 v8, v1;
	(erf) = vrcp.f32 v12;
	v14 =	vmul.f32 $5.000000000e-01, v11  }
0xfd: {  	v15 =	vadd.f32 v15, v30;
	v30 =	vld [tilespmem:$0x1FF60];
	vm13 =	vgt.f32 v11, $1.414213540e+00;
	(erf) = vrcp.f32 v56  }
0xfe: {  	v6 =	vmul.f32 $6.213349100e-01, v6;
	v8 =	vsel vm13, v14, v11  }
0xff: {  	v1 =	vadd.f32 v1, v5;
	v5 =	vmul.f32 v18, v9;
	v18 =	vld [tilespmem:$0x1FEE0];
	v14 =	vadd.f32 $1.000000000e+00, v8  }
0x100: {  	v11 =	vmul.f32 v6, v60  }
0x101: {  	(erf) = vrcp.f32 v14;
	v14 =	vmul.f32 v3, v42  }
0x102: {  	v12 =	vshrl.u32 v12, $0x17;
	v9 =	vadd.f32 v11, v32;
	v11 =	vmul.f32 v6, v30  }
0x103: {  	v0 =	vmul.f32 v62, v0;
	v1 =	vadd.f32 v1, v5;
	v14 =	vadd.f32 v14, v27;
	v27 =	vld [tilespmem:$0x1FF20]  }
0x104: {  	v11 =	vadd.f32 v11, v18;
	v18 =	vsel vm13, $0x1, v55  }
0x105: {  	v0 =	vadd.f32 v1, v0;
	v1 =	vadd.s32 v18, v12;
	v12 =	vpop (erf);
	v18 =	vadd.f32 $-1.000000000e+00, v19  }
0x106: {  	v19 =	vmul.f32 v6, v41;
	v59 =	vpop (erf)  }
0x107: {  	v61 =	vmul.f32 v3, v60;
	v10 =	vld [tilespmem:$0x1FEF0];
	v18 =	vmul.f32 v59, v18  }
0x108: {  	v2 =	vmul.f32 v2, v45;
	v19 =	vadd.f32 v19, v27;
	v27 =	vld [tilespmem:$0x1FF10]  }
0x109: {  	v49 =	vadd.f32 v61, v31;
	v61 =	vmul.f32 v3, v40;
	v63 =	vmul.f32 v18, v18  }
0x10a: {  	v13 =	vmul.f32 v13, v46;
	v2 =	vadd.f32 $0.0e+00, v2;
	v57 =	vmul.f32 v3, v30  }
0x10b: {  	v60 =	vmul.f32 v6, v40;
	v40 =	vadd.f32 v61, v38;
	v38 =	vmul.f32 $1.428571490e-01, v63  }
0x10c: {  	v4 =	vmul.f32 v4, v44;
	v8 =	vadd.f32 $-1.000000000e+00, v8;
	v10 =	vadd.f32 v57, v10  }
0x10d: {  	v0 =	vmul.f32 v12, v0;
	v12 =	vpop (erf);
	v54 =	vadd.f32 v60, v27;
	v27 =	vld [tilespmem:$0x1FF30];
	v57 =	vadd.f32 $2.000000030e-01, v38  }
0x10e: {  	v58 =	vmul.f32 v3, v41;
	v8 =	vmul.f32 v12, v8  }
0x10f: {  	v2 =	vadd.f32 v2, v13;
	v62 =	vmul.f32 v6, v39;
	v45 =	vmul.f32 v57, v63  }
0x110: {  	v52 =	vadd.f32 v58, v28;
	v32 =	vmul.f32 v3, v39;
	v58 =	vmul.f32 v8, v8  }
0x111: {  	(erf) = vrcp.f32 v7;
	v7 =	vshrl.u32 v7, $0x17;
	v61 =	vadd.f32 $3.333333430e-01, v45  }
0x112: {  	v13 =	vmul.f32 $1.428571490e-01, v58;
	v39 =	vadd.f32 v62, v27;
	v62 =	vsel vm12, $0x1, v55  }
0x113: {  	v2 =	vadd.f32 v2, v4;
	v4 =	vadd.s32 v62, v7;
	v7 =	vmul.f32 v61, v63  }
0x114: {  	v13 =	vadd.f32 $2.000000030e-01, v13  }
0x115: {  	v18 =	vadd.f32 v18, v18;
	v7 =	vadd.f32 $1.000000000e+00, v7  }
0x116: {  	v16 =	vmul.f32 v16, v50;
	v13 =	vmul.f32 v13, v58;
	v4 =	vadd.s32 $0xFFFFFF81, v4  }
0x117: {  	v4 =	vcvt.s32.f32 v4;
	v7 =	vmul.f32 v7, v18  }
0x118: {  	v2 =	vadd.f32 v2, v16;
	v16 =	vmul.f32 v17, v43;
	v13 =	vadd.f32 $3.333333430e-01, v13  }
0x119: {  	v4 =	vmul.f32 $6.931471820e-01, v4  }
0x11a: {  	v2 =	vadd.f32 v2, v16;
	v1 =	vadd.s32 $0xFFFFFF81, v1;
	v13 =	vmul.f32 v13, v58  }
0x11b: {  	v16 =	vmul.f32 v3, v35;
	v1 =	vcvt.s32.f32 v1;
	v4 =	vadd.f32 v7, v4;
	v7 =	vpop (erf)  }
0x11c: {  	v2 =	vmul.f32 v7, v2;
	v7 =	vadd.f32 v8, v8;
	v8 =	vadd.f32 $1.000000000e+00, v13  }
0x11d: {  	vm9 =	veq.s32 v47, $0x9;
	v5 =	vmul.f32 v6, v42;
	v1 =	vmul.f32 $6.931471820e-01, v1  }
0x11e: {  	v12 =	vmul.f32 v6, v36;
	v2 =	vsub.f32 v4, v2;
	v4 =	vmul.f32 v8, v7  }
0x11f: {  	v53 =	vimm.f32 $0.0e+00;
	v63 =	vmul.f32 v6, v35;
	v18 =	vmul.f32 v6, v34  }
0x120: {  	v6 =	vmul.f32 v6, v33;
	v1 =	vadd.f32 v4, v1;
	v2 =	vmul.f32 $6.213349100e-01, v2  }
0x121: {  	v56 =	vmul.f32 v3, v36;
	v3 =	vmul.f32 v3, v34;
	v7 =	vsel vm9, $0x3F800000, v53  }
0x122: {  	v0 =	vsub.f32 v1, v0;
	v1 =	vadd.f32 v6, v22;
	v6 =	vmul.f32 v2, v7;
	_ =	sdelay $0x1  }
0x123: {  	v3 =	vadd.f32 v3, v21;
	v21 =	vadd.f32 v6, v15;
	v15 =	vld [tilespmem:$0x1FF50];
	_ =	sdelay $0x2  }
0x124: {  	vm5 =	veq.s32 v47, $0x0;
	v0 =	vmul.f32 $6.213349100e-01, v0  }
0x125: {  	v4 =	vsel vm5, $0x3F800000, v53  }
0x126: {  	v8 =	vmul.f32 v2, v4;
	v27 =	vadd.f32 v4, v15;
	v4 =	vmul.f32 v0, v4  }
0x127: {  	v41 =	vadd.f32 v32, v37;
	v15 =	vld [tilespmem:$0x1FF70]  }
0x128: {  	vm6 =	veq.s32 v47, $0x1;
	v13 =	vadd.f32 v16, v23;
	v32 =	vadd.f32 v4, v9;
	v9 =	vld [tilespmem:$0x1FF80]  }
0x129: {  	v16 =	vadd.f32 v18, v24;
	v18 =	vadd.f32 v33, v20;
	v20 =	vsel vm6, $0x3F800000, v53  }
0x12a: {  	vm7 =	veq.s32 v47, $0x2;
	v6 =	vmul.f32 v2, v20  }
0x12b: {  	v31 =	vadd.f32 v8, v49;
	v8 =	vsel vm7, $0x3F800000, v53  }
0x12c: {  	v33 =	vadd.f32 v6, v10;
	v6 =	vmul.f32 v0, v20;
	v4 =	vmul.f32 v0, v8  }
0x12d: {  	v28 =	vadd.f32 v20, v15;
	v15 =	vadd.f32 v8, v9;
	v8 =	vmul.f32 v2, v8;
	_ =	sdelay $0x1  }
0x12e: {  	v38 =	vadd.f32 v6, v11;
	v11 =	vadd.f32 v8, v14;
	v8 =	vld [tilespmem:$0x1FFA0];
	_ =	sdelay $0x1  }
0x12f: {  	v30 =	vld [tilespmem:$0x1FF00]  }
0x130: {  	vm3 =	veq.s32 v47, $0x4  }
0x131: {  	v6 =	vsel vm3, $0x3F800000, v53  }
0x132: {  	v12 =	vadd.f32 v12, v29;
	v29 =	vadd.f32 v6, v8;
	v8 =	vld [tilespmem:$0x1FFB0];
	_ =	sdelay $0x1  }
0x133: {  	v5 =	vadd.f32 v5, v30  }
0x134: {  	vm8 =	veq.s32 v47, $0x3;
	vm4 =	veq.s32 v47, $0x5  }
0x135: {  	v10 =	vsel vm8, $0x3F800000, v53;
	v37 =	vadd.f32 v4, v5;
	v4 =	vsel vm4, $0x3F800000, v53;
	v5 =	vld [tilespmem:$0x1FF90]  }
0x136: {  	v30 =	vadd.f32 v4, v8;
	v8 =	vmul.f32 v2, v10;
	_ =	sdelay $0x1  }
0x137: {  	v14 =	vadd.f32 v8, v52;
	v8 =	vmul.f32 v0, v4;
	_ =	sdelay $0x1  }
0x138: {  	v62 =	vadd.f32 v10, v5;
	v5 =	vmul.f32 v0, v10;
	v34 =	vadd.f32 v8, v39;
	v8 =	vld [tilespmem:$0x1FFC0];
	_ =	sdelay $0x1  }
0x139: {  	v35 =	vadd.f32 v5, v19;
	v5 =	vmul.f32 v0, v6  }
0x13a: {  	vm2 =	veq.s32 v47, $0x6;
	v19 =	vimm.f32 $0.0e+00  }
0x13b: {  	v36 =	vadd.f32 v5, v54;
	v5 =	vsel vm2, $0x3F800000, v19  }
0x13c: {  	v17 =	vadd.f32 v63, v26;
	v26 =	vadd.f32 v5, v8;
	v8 =	vld [tilespmem:$0x1FFD0]  }
0x13d: {  	v6 =	vmul.f32 v2, v6  }
0x13e: {  	vm14 =	veq.s32 v47, $0x7;
	vm15 =	veq.s32 v47, $0x8;
	v20 =	vld [tilespmem:$0x1FFE0];
	v4 =	vmul.f32 v2, v4  }
0x13f: {  	v59 =	vadd.f32 v56, v25;
	v10 =	vadd.f32 v6, v40;
	v6 =	vmul.f32 v0, v5  }
0x140: {  	v9 =	vadd.f32 v4, v41;
	v4 =	vsel vm14, $0x3F800000, v19;
	v5 =	vmul.f32 v2, v5  }
0x141: {  	s13 =	sadd.s32 $0x1, s13;
	v12 =	vadd.f32 v6, v12;
	v6 =	vsel vm15, $0x3F800000, v19;
	v25 =	vadd.f32 v4, v8  }
0x142: {  	p0 =	sne.s32 s13, $0xE;
	v8 =	vadd.f32 v5, v59;
	v5 =	vmul.f32 v0, v4;
	v4 =	vmul.f32 v2, v4  }
.Ltmp1:
0x143: {  	v24 =	vadd.f32 v6, v20;
	v2 =	vmul.f32 v2, v6;
	v6 =	vmul.f32 v0, v6;
	(pc) =	sbr.rel @p0 .LBB2_2-.Ltmp1, $4  }
0x144: {  	_ = 	snop  }
0x145: {  	v20 =	vadd.f32 v7, v18;
	v0 =	vmul.f32 v0, v7;
	v5 =	vadd.f32 v5, v17  }
0x146: {  	v23 =	vadd.f32 v4, v13;
	v4 =	vadd.f32 v6, v16  }
0x147: {  	s12 =	sadd.s32 $0x1C0, s12;
	v22 =	vadd.f32 v0, v1;
	v0 =	vimm.s32 $0x0;
	v6 =	vmovc v21;
	v21 =	vadd.f32 v2, v3;
	v2 =	vld [tilespmem:$0x1FFF0]  }
0x148: {  	[tilespmem:$0xC780] =	vst v32  }
0x149: {  	[tilespmem:$0xC800] =	vst v38  }
0x14a: {  	[tilespmem:$0xC880] =	vst v37  }
0x14b: {  	[tilespmem:$0xC900] =	vst v35  }
0x14c: {  	[tilespmem:$0xC980] =	vst v36  }
0x14d: {  	[tilespmem:$0xCA00] =	vst v34  }
0x14e: {  	[tilespmem:$0xCA80] =	vst v12  }
0x14f: {  	[tilespmem:$0xCB00] =	vst v5  }
0x150: {  	[tilespmem:$0xCB80] =	vst v4  }
0x151: {  	[tilespmem:$0xCC80] =	vst v31  }
0x152: {  	[tilespmem:$0xCD00] =	vst v33  }
0x153: {  	[tilespmem:$0xCD80] =	vst v11  }
0x154: {  	[tilespmem:$0xCE00] =	vst v14  }
0x155: {  	[tilespmem:$0xCE80] =	vst v10  }
0x156: {  	[tilespmem:$0xCF00] =	vst v9  }
0x157: {  	[tilespmem:$0xCF80] =	vst v8  }
0x158: {  	[tilespmem:$0xD000] =	vst v23  }
0x159: {  	[tilespmem:$0xD100] =	vst v6  }
0x15a: {  	[tilespmem:$0xD180] =	vst v27  }
0x15b: {  	[tilespmem:$0xD200] =	vst v28  }
0x15c: {  	[tilespmem:$0xD280] =	vst v15  }
0x15d: {  	[tilespmem:$0xD300] =	vst v62  }
0x15e: {  	[tilespmem:$0xD380] =	vst v29  }
0x15f: {  	[tilespmem:$0xD400] =	vst v30  }
0x160: {  	[tilespmem:$0xD480] =	vst v26  }
0x161: {  	[tilespmem:$0xD500] =	vst v25  }
0x162: {  	[tilespmem:$0xD580] =	vst v24  }
0x163: {  	[tilespmem:$0xD600] =	vst v20;
	s11 =	sadd.s32 $0x1, s11  }
0x164: {  	[tilespmem:$0xCC00] =	vst v22;
	p0 =	sne.s32 s11, s7  }
.Ltmp2:
0x165: {  	[tilespmem:$0xD080] =	vst v21;
	(pc) =	sbr.rel @p0 .LBB2_1-.Ltmp2, $4  }
0x166: {  	[hbm4b:s6+s2] =	stream.linear.scatter [tilespmem:s10], [sflag:$0x1], $0xF00, $0x38;
	[tilespmem:$0xD780] =	vst v63  }
0x167: {  	_ =	swait.ge [sflag:s8], $0xF00  }
0x168: {  	[sflag:s8] =	ssyncset.done $0x0  }
0x169: {  	[sflag:s8] =	ssyncadd.s32 $0xFFFFF100  }
0x16a: {  	_ =	sfence.sel $0x180000  }
0x16b: {  	[bflag:$0x0] =	sbarrier.arrive $0xFFFF  }
0x16c: {  	p0 =	sne.s32 s1, $0x0;
	_ =	strace $0x90000047  }
0x16d: {  	s0 =	sadd.s32 @!p0 $0x100000, s0;
	[bflag:$0x2] =	sbarrier.arrive $0xFFFF  }
0x16e: {  	[sflag:s0] =	ssyncadd.tile.s32 @!p0 $0x1;
	_ =	shalt  }
.Lfunc_end2:
_tile_overlayer_lowered:
.L_overlay_start_2:
0x16f: {  	(tag) =	ssettag $0x2  }
0x170: {  	s0 =	rddreg [dreg:$0x0];
	s2 =	stileid.u32  }
0x171: {  	s1 =	rddreg [dreg:$0x1];
	p0 =	sne.s32 s2, $0x0  }
0x172: {  	s3 =	rddreg [dreg:$0x2];
	[bflag:$0x3] =	sbarrier.arrive $0xFFFF;
	s2 =	simm.s32 @!p0 $0x1C01  }
0x173: {  	[timem:s3], [sflag:s2] =	dma.local @!p0 [hbm:s0], s1  }
0x174: {  	s0 =	simm.s32 @!p0 $0x1  }
0x175: {  	_ =	swait.ge @!p0 [sflag:s0], s1  }
0x176: {  	s1 =	ssub.s32 @!p0 $0x0, s1;
	[sflag:s0] =	ssyncset.done @!p0 $0x0  }
0x177: {  	[sflag:s0] =	ssyncadd.s32 @!p0 s1  }
0x178: {  	[bflag:$0x3] =	sbarrier.arrive $0xFFFF  }
0x179: {  	_ =	shalt  }

</sc_bundles>
